<compile_context>
chip_gen: v7x
topology: tpu7x:2x2x1
jax: 0.10.2.dev20260603
libtpu: 0.0.44.dev20260713+nightly
codegen_flags: <defaults>
</compile_context>

<pallas_src>
import functools

import jax
import jax.numpy as jnp
from jax import lax
from jax.experimental import pallas as pl
from jax.experimental.pallas import tpu as pltpu
from jax.experimental.pallas import tpu_sc as plsc

N_CLASSES = 11
REG_FG_THRESH = 0.3
B, R, G = 4, 20000, 128
RPAD = 20480
NW = 32
NROI = B * RPAD // NW
CHUNKS = NROI // 16
W_PER_B = RPAD // NROI


def _sc_body(roi6_hbm, asgn7_hbm, lab_hbm, gt7_hbm, gtlab_hbm,
             out7_hbm, outlab_hbm, mask_hbm,
             roi_v, asgn_v, lab_v, gtflat_v, gtlab_v, gderb_v,
             out_v, outlab_v, mask_v):
    c = lax.axis_index("c")
    s = lax.axis_index("s")
    wid = s * 2 + c
    base = wid * NROI
    b = wid // W_PER_B

    pltpu.sync_copy(roi6_hbm.at[:, pl.ds(base, NROI)], roi_v)
    pltpu.sync_copy(asgn7_hbm.at[:, pl.ds(base, NROI)], asgn_v)
    pltpu.sync_copy(lab_hbm.at[pl.ds(base, NROI)], lab_v)
    pltpu.sync_copy(gt7_hbm.at[b], gtflat_v)
    pltpu.sync_copy(gtlab_hbm.at[b], gtlab_v)

    def bc_body(j, _):
        o = j * 16
        gx = gtflat_v[pl.ds(0 * G + o, 16)]
        gy = gtflat_v[pl.ds(1 * G + o, 16)]
        gz = gtflat_v[pl.ds(2 * G + o, 16)]
        gdx = gtflat_v[pl.ds(3 * G + o, 16)]
        gdy = gtflat_v[pl.ds(4 * G + o, 16)]
        gdz = gtflat_v[pl.ds(5 * G + o, 16)]
        vals = (gx - gdx * 0.5, gy - gdy * 0.5, gz - gdz * 0.5,
                gx + gdx * 0.5, gy + gdy * 0.5, gz + gdz * 0.5,
                (gdx * gdy) * gdz)
        for d, v in enumerate(vals):
            for l in range(16):
                gderb_v[pl.ds((d * G + o + l) * 16, 16)] = jnp.broadcast_to(v[l], (16,))
        return 0

    lax.fori_loop(0, G // 16, bc_body, 0)

    def chunk_body(i, _):
        sl = pl.ds(i * 16, 16)
        rx = roi_v[0, sl]
        ry = roi_v[1, sl]
        rz = roi_v[2, sl]
        rdx = roi_v[3, sl]
        rdy = roi_v[4, sl]
        rdz = roi_v[5, sl]
        rminx = rx - rdx * 0.5
        rminy = ry - rdy * 0.5
        rminz = rz - rdz * 0.5
        rmaxx = rx + rdx * 0.5
        rmaxy = ry + rdy * 0.5
        rmaxz = rz + rdz * 0.5
        volr = (rdx * rdy) * rdz

        def gt_body(g, carry):
            best, bidx = carry
            ix = jnp.maximum(
                jnp.minimum(rmaxx, gderb_v[pl.ds((3 * G + g) * 16, 16)])
                - jnp.maximum(rminx, gderb_v[pl.ds((0 * G + g) * 16, 16)]), 0.0)
            iy = jnp.maximum(
                jnp.minimum(rmaxy, gderb_v[pl.ds((4 * G + g) * 16, 16)])
                - jnp.maximum(rminy, gderb_v[pl.ds((1 * G + g) * 16, 16)]), 0.0)
            iz = jnp.maximum(
                jnp.minimum(rmaxz, gderb_v[pl.ds((5 * G + g) * 16, 16)])
                - jnp.maximum(rminz, gderb_v[pl.ds((2 * G + g) * 16, 16)]), 0.0)
            inter = (ix * iy) * iz
            iou = inter / (((volr + gderb_v[pl.ds((6 * G + g) * 16, 16)]) - inter) + 1e-8)
            better = iou > best
            best = jnp.where(better, iou, best)
            bidx = jnp.where(better, g, bidx)
            return best, bidx

        best, bidx = lax.fori_loop(
            0, G, gt_body,
            (jnp.full((16,), -1.0, jnp.float32), jnp.zeros((16,), jnp.int32)))

        lab = lab_v[sl]
        pos = lab >= 0
        stage2 = jnp.logical_and(jnp.logical_not(pos), best >= REG_FG_THRESH)
        zero = jnp.zeros((16,), jnp.float32)
        for comp in range(6):
            a = plsc.load_gather(gtflat_v, [bidx + comp * G])
            out_v[comp, sl] = jnp.where(pos, asgn_v[comp, sl],
                                        jnp.where(stage2, a, zero))
        ayaw = -plsc.load_gather(gtflat_v, [bidx + 6 * G])
        out_v[6, sl] = jnp.where(pos, -asgn_v[6, sl],
                                 jnp.where(stage2, ayaw, zero))
        alab = plsc.load_gather(gtlab_v, [bidx])
        outlab_v[sl] = jnp.where(pos, lab,
                                 jnp.where(stage2, alab,
                                           jnp.full((16,), N_CLASSES, jnp.int32)))
        mask_v[sl] = jnp.logical_or(pos, stage2).astype(jnp.float32)
        return 0

    lax.fori_loop(0, CHUNKS, chunk_body, 0)

    pltpu.sync_copy(out_v, out7_hbm.at[:, pl.ds(base, NROI)])
    pltpu.sync_copy(outlab_v, outlab_hbm.at[pl.ds(base, NROI)])
    pltpu.sync_copy(mask_v, mask_hbm.at[pl.ds(base, NROI)])


@jax.jit
def _run(roi6, asgn7, lab, gt7, gtlab):
    mesh = plsc.VectorSubcoreMesh(core_axis_name="c", subcore_axis_name="s",
                                  num_cores=2, num_subcores=16)
    f = pl.kernel(
        _sc_body,
        out_type=[
            jax.ShapeDtypeStruct((7, B * RPAD), jnp.float32),
            jax.ShapeDtypeStruct((B * RPAD,), jnp.int32),
            jax.ShapeDtypeStruct((B * RPAD,), jnp.float32),
        ],
        mesh=mesh,
        compiler_params=pltpu.CompilerParams(needs_layout_passes=False),
        scratch_types=[
            pltpu.VMEM((6, NROI), jnp.float32),
            pltpu.VMEM((7, NROI), jnp.float32),
            pltpu.VMEM((NROI,), jnp.int32),
            pltpu.VMEM((7 * G,), jnp.float32),
            pltpu.VMEM((G,), jnp.int32),
            pltpu.VMEM((7 * G * 16,), jnp.float32),
            pltpu.VMEM((7, NROI), jnp.float32),
            pltpu.VMEM((NROI,), jnp.int32),
            pltpu.VMEM((NROI,), jnp.float32),
        ],
    )
    return f(roi6, asgn7, lab, gt7, gtlab)


def kernel(rois, gt_bboxes_3d, gt_labels_3d, batch_gt_of_rois,
           batch_gt_label_of_rois, batch_size):
    pad = RPAD - R
    roi6 = jnp.pad(rois[..., :6], ((0, 0), (0, pad), (0, 0)))
    roi6 = roi6.transpose(2, 0, 1).reshape(6, B * RPAD)
    asgn7 = jnp.pad(batch_gt_of_rois, ((0, 0), (0, pad), (0, 0)))
    asgn7 = asgn7.transpose(2, 0, 1).reshape(7, B * RPAD)
    lab = jnp.pad(batch_gt_label_of_rois, ((0, 0), (0, pad)),
                  constant_values=-1).reshape(B * RPAD)
    gt7 = gt_bboxes_3d.transpose(0, 2, 1).reshape(B, 7 * G)
    gtlab = gt_labels_3d

    out7, outlab, maskf = _run(roi6, asgn7, lab, gt7, gtlab)

    gt_out = out7.reshape(7, B, RPAD)[:, :, :R].transpose(1, 2, 0)
    lab_out = outlab.reshape(B, RPAD)[:, :R]
    mask_out = maskf.reshape(B, RPAD)[:, :R]
    return rois, gt_out, lab_out, mask_out

# --- scband reference (transcript-rebuilt; emitter-appended) ---
"""Pipeline reference for scband-proposal-target-layer-56753697849881 (READ-ONLY COPY).

The authoritative reference and input builder live on the scoring server;
editing this copy changes nothing except your own understanding.
"""

import jax, jax.numpy as jnp
import numpy as np

N_CLASSES = 11
REG_FG_THRESH = 0.3
B, R, G = 4, 20000, 128


def _make_boxes(key, shape):
    k1, k2, k3 = jax.random.split(key, 3)
    ctr = jax.random.uniform(k1, shape[:-1] + (3,), minval=-50.0, maxval=50.0)
    size = jax.random.uniform(k2, shape[:-1] + (3,), minval=1.0, maxval=5.0)
    yaw = jax.random.uniform(k3, shape[:-1] + (1,), minval=-3.14, maxval=3.14)
    return jnp.concatenate([ctr, size, yaw], axis=-1)


def setup_inputs(seed: int = 0) -> dict:
    key = jax.random.key(seed)
    ks = jax.random.split(key, 6)
    rois = _make_boxes(ks[0], (B, R, 7))
    gt_bboxes_3d = _make_boxes(ks[1], (B, G, 7))
    gt_labels_3d = jax.random.randint(ks[2], (B, G), 0, N_CLASSES)
    batch_gt_of_rois = _make_boxes(ks[3], (B, R, 7))
    lab = jax.random.randint(ks[4], (B, R), 0, N_CLASSES)
    negmask = jax.random.uniform(ks[5], (B, R)) < 0.9
    batch_gt_label_of_rois = jnp.where(negmask, -1, lab)
    return {
        'rois': rois,
        'gt_bboxes_3d': gt_bboxes_3d,
        'gt_labels_3d': gt_labels_3d,
        'batch_gt_of_rois': batch_gt_of_rois,
        'batch_gt_label_of_rois': batch_gt_label_of_rois,
        'batch_size': B,
    }


def _iou3d_axis_aligned(rois, gt):
    # rois: [R, 7], gt: [G, 7] -> iou [R, G]; axis-aligned 3D IoU (yaw ignored)
    r_min = rois[:, None, 0:3] - rois[:, None, 3:6] * 0.5
    r_max = rois[:, None, 0:3] + rois[:, None, 3:6] * 0.5
    g_min = gt[None, :, 0:3] - gt[None, :, 3:6] * 0.5
    g_max = gt[None, :, 0:3] + gt[None, :, 3:6] * 0.5
    inter = jnp.prod(jnp.clip(jnp.minimum(r_max, g_max) - jnp.maximum(r_min, g_min), 0.0, None), axis=-1)
    vol_r = jnp.prod(rois[:, 3:6], axis=-1)[:, None]
    vol_g = jnp.prod(gt[:, 3:6], axis=-1)[None, :]
    return inter / (vol_r + vol_g - inter + 1e-8)


def reference(rois, gt_bboxes_3d, gt_labels_3d, batch_gt_of_rois, batch_gt_label_of_rois, batch_size):
    flip = jnp.ones((7,), dtype=rois.dtype).at[6].set(-1.0)
    cur_gt = gt_bboxes_3d * flip  # yaw flipped, as in torch code
    cur_assign_gt = batch_gt_of_rois * flip
    pos = batch_gt_label_of_rois >= 0  # stage-one positives
    # stage two: match remaining rois to GT by max IoU (computed densely, masked)
    iou = jax.vmap(_iou3d_axis_aligned)(rois[..., :7], cur_gt[..., :7])  # [B, R, G]
    max_ov = jnp.max(iou, axis=-1)
    gt_assign = jnp.argmax(iou, axis=-1)  # [B, R]
    assigned_gt = jax.vmap(lambda g, i: g[i])(cur_gt, gt_assign)  # [B, R, 7]
    assigned_lab = jnp.take_along_axis(gt_labels_3d, gt_assign, axis=1)  # [B, R]
    stage_two = jnp.logical_and(jnp.logical_not(pos), max_ov >= REG_FG_THRESH)
    batch_gt_of_rois_out = jnp.where(pos[..., None], cur_assign_gt,
                                     jnp.where(stage_two[..., None], assigned_gt, 0.0))
    batch_gt_label_out = jnp.where(pos, batch_gt_label_of_rois,
                                   jnp.where(stage_two, assigned_lab, N_CLASSES))
    reg_valid_mask = jnp.logical_or(pos, stage_two).astype(rois.dtype)
    # targets_dict: rois (clone), gt_of_rois, gt_label_of_rois, reg_valid_mask
    return rois, batch_gt_of_rois_out, batch_gt_label_out, reg_valid_mask

if __name__ == "__main__":
    import jax
    _d = setup_inputs()
    print(jax.jit(kernel)(*tuple(_d.values())))

</pallas_src>

<mosaic_0001>
#map = affine_map<(d0, d1) -> (0, 0)>
#map1 = affine_map<(d0, d1) -> (0)>
module attributes {stable_mosaic.version = 14 : i64} {
  func.func @_sc_body(%arg0: i32, %arg1: i32, %arg2: memref<6x81920xf32, #tpu.memory_space<hbm>>, %arg3: memref<7x81920xf32, #tpu.memory_space<hbm>>, %arg4: memref<81920xi32, #tpu.memory_space<hbm>>, %arg5: memref<4x896xf32, #tpu.memory_space<hbm>>, %arg6: memref<4x128xi32, #tpu.memory_space<hbm>>, %arg7: memref<7x81920xf32, #tpu.memory_space<hbm>>, %arg8: memref<81920xi32, #tpu.memory_space<hbm>>, %arg9: memref<81920xf32, #tpu.memory_space<hbm>>, %arg10: memref<6x2560xf32, #tpu.memory_space<vmem>>, %arg11: memref<7x2560xf32, #tpu.memory_space<vmem>>, %arg12: memref<2560xi32, #tpu.memory_space<vmem>>, %arg13: memref<896xf32, #tpu.memory_space<vmem>>, %arg14: memref<128xi32, #tpu.memory_space<vmem>>, %arg15: memref<14336xf32, #tpu.memory_space<vmem>>, %arg16: memref<7x2560xf32, #tpu.memory_space<vmem>>, %arg17: memref<2560xi32, #tpu.memory_space<vmem>>, %arg18: memref<2560xf32, #tpu.memory_space<vmem>>) attributes {dimension_semantics = [#tpu.dimension_semantics<core_parallel>, #tpu.dimension_semantics<subcore_parallel>], iteration_bounds = array<i64: 2, 16>, scalar_prefetch = 0 : i64, scratch_operands = 9 : i64, tpu.core_type = #tpu.core_type<sc_vector_subcore>, window_params = [{transform_indices = #map}, {transform_indices = #map}, {transform_indices = #map1}, {transform_indices = #map}, {transform_indices = #map}, {transform_indices = #map}, {transform_indices = #map1}, {transform_indices = #map1}]} {
    %mul3A = arith.constant 2 : i32
    %mul3A_0 = arith.muli %arg1, %mul3A : i32
    %add3A = arith.addi %mul3A_0, %arg0 : i32
    %mul3A_1 = arith.constant 2560 : i32
    %mul3A_2 = arith.muli %add3A, %mul3A_1 : i32
    %jit3A = arith.constant 8 : i32
    %div3A = arith.divsi %add3A, %jit3A : i32
    %sign3A = arith.constant 0 : i32
    %sign3A_3 = arith.cmpi sgt, %add3A, %sign3A : i32
    %sign3A_4 = arith.extui %sign3A_3 : i1 to i32
    %sign3A_5 = arith.constant 0 : i32
    %sign3A_6 = arith.cmpi slt, %add3A, %sign3A_5 : i32
    %sign3A_7 = arith.extui %sign3A_6 : i1 to i32
    %sign3A_8 = arith.subi %sign3A_4, %sign3A_7 : i32
    %sign3A_9 = arith.constant 0 : i32
    %sign3A_10 = arith.cmpi sgt, %jit3A, %sign3A_9 : i32
    %sign3A_11 = arith.extui %sign3A_10 : i1 to i32
    %sign3A_12 = arith.constant 0 : i32
    %sign3A_13 = arith.cmpi slt, %jit3A, %sign3A_12 : i32
    %sign3A_14 = arith.extui %sign3A_13 : i1 to i32
    %sign3A_15 = arith.subi %sign3A_11, %sign3A_14 : i32
    %ne3A = arith.cmpi ne, %sign3A_8, %sign3A_15 : i32
    %rem3A = arith.remsi %add3A, %jit3A : i32
    %ne3A_16 = arith.constant 0 : i32
    %ne3A_17 = arith.cmpi ne, %rem3A, %ne3A_16 : i32
    %and3A = arith.andi %ne3A, %ne3A_17 : i1
    %sub3A = arith.constant 1 : i32
    %sub3A_18 = arith.subi %div3A, %sub3A : i32
    %select_n3A = arith.select %and3A, %sub3A_18, %div3A : i32
    "tpu.region"() ({
      %run_scoped3A = tpu.sem_alloc : memref<!tpu.dma_semaphore, #tpu.memory_space<semaphore_mem>>
      %dma_start3A = arith.constant 0 : i32
      %dma_start3A_32 = tpu.memref_slice %arg2[%dma_start3A, %mul3A_2] : memref<6x81920xf32, #tpu.memory_space<hbm>> -> memref<6x2560xf32, #tpu.memory_space<hbm>>
      %dma_start3A_33 = arith.constant 0 : i32
      %dma_start3A_34 = tpu.memref_slice %arg2[%dma_start3A_33, %mul3A_2] : memref<6x81920xf32, #tpu.memory_space<hbm>> -> memref<6x2560xf32, #tpu.memory_space<hbm>>
      tpu.enqueue_dma source(%dma_start3A_34 : memref<6x2560xf32, #tpu.memory_space<hbm>>) target(%arg10 : memref<6x2560xf32, #tpu.memory_space<vmem>>) target_semaphore(%run_scoped3A : memref<!tpu.dma_semaphore, #tpu.memory_space<semaphore_mem>>)
      %dma_wait3A = arith.constant 0 : i32
      %dma_wait3A_35 = tpu.memref_slice %arg2[%dma_wait3A, %mul3A_2] : memref<6x81920xf32, #tpu.memory_space<hbm>> -> memref<6x2560xf32, #tpu.memory_space<hbm>>
      %dma_wait3A_36 = arith.constant 0 : i32
      %dma_wait3A_37 = tpu.memref_slice %arg2[%dma_wait3A_36, %mul3A_2] : memref<6x81920xf32, #tpu.memory_space<hbm>> -> memref<6x2560xf32, #tpu.memory_space<hbm>>
      tpu.wait_dma2 semaphore(%run_scoped3A : memref<!tpu.dma_semaphore, #tpu.memory_space<semaphore_mem>>) src(%dma_wait3A_37 : memref<6x2560xf32, #tpu.memory_space<hbm>>) dst(%arg10 : memref<6x2560xf32, #tpu.memory_space<vmem>>)
      tpu.yield
    }) : () -> ()
    "tpu.region"() ({
      %run_scoped3A = tpu.sem_alloc : memref<!tpu.dma_semaphore, #tpu.memory_space<semaphore_mem>>
      %dma_start3A = arith.constant 0 : i32
      %dma_start3A_32 = tpu.memref_slice %arg3[%dma_start3A, %mul3A_2] : memref<7x81920xf32, #tpu.memory_space<hbm>> -> memref<7x2560xf32, #tpu.memory_space<hbm>>
      %dma_start3A_33 = arith.constant 0 : i32
      %dma_start3A_34 = tpu.memref_slice %arg3[%dma_start3A_33, %mul3A_2] : memref<7x81920xf32, #tpu.memory_space<hbm>> -> memref<7x2560xf32, #tpu.memory_space<hbm>>
      tpu.enqueue_dma source(%dma_start3A_34 : memref<7x2560xf32, #tpu.memory_space<hbm>>) target(%arg11 : memref<7x2560xf32, #tpu.memory_space<vmem>>) target_semaphore(%run_scoped3A : memref<!tpu.dma_semaphore, #tpu.memory_space<semaphore_mem>>)
      %dma_wait3A = arith.constant 0 : i32
      %dma_wait3A_35 = tpu.memref_slice %arg3[%dma_wait3A, %mul3A_2] : memref<7x81920xf32, #tpu.memory_space<hbm>> -> memref<7x2560xf32, #tpu.memory_space<hbm>>
      %dma_wait3A_36 = arith.constant 0 : i32
      %dma_wait3A_37 = tpu.memref_slice %arg3[%dma_wait3A_36, %mul3A_2] : memref<7x81920xf32, #tpu.memory_space<hbm>> -> memref<7x2560xf32, #tpu.memory_space<hbm>>
      tpu.wait_dma2 semaphore(%run_scoped3A : memref<!tpu.dma_semaphore, #tpu.memory_space<semaphore_mem>>) src(%dma_wait3A_37 : memref<7x2560xf32, #tpu.memory_space<hbm>>) dst(%arg11 : memref<7x2560xf32, #tpu.memory_space<vmem>>)
      tpu.yield
    }) : () -> ()
    "tpu.region"() ({
      %run_scoped3A = tpu.sem_alloc : memref<!tpu.dma_semaphore, #tpu.memory_space<semaphore_mem>>
      %dma_start3A = tpu.memref_slice %arg4[%mul3A_2] : memref<81920xi32, #tpu.memory_space<hbm>> -> memref<2560xi32, #tpu.memory_space<hbm>>
      %dma_start3A_32 = tpu.memref_slice %arg4[%mul3A_2] : memref<81920xi32, #tpu.memory_space<hbm>> -> memref<2560xi32, #tpu.memory_space<hbm>>
      tpu.enqueue_dma source(%dma_start3A_32 : memref<2560xi32, #tpu.memory_space<hbm>>) target(%arg12 : memref<2560xi32, #tpu.memory_space<vmem>>) target_semaphore(%run_scoped3A : memref<!tpu.dma_semaphore, #tpu.memory_space<semaphore_mem>>)
      %dma_wait3A = tpu.memref_slice %arg4[%mul3A_2] : memref<81920xi32, #tpu.memory_space<hbm>> -> memref<2560xi32, #tpu.memory_space<hbm>>
      %dma_wait3A_33 = tpu.memref_slice %arg4[%mul3A_2] : memref<81920xi32, #tpu.memory_space<hbm>> -> memref<2560xi32, #tpu.memory_space<hbm>>
      tpu.wait_dma2 semaphore(%run_scoped3A : memref<!tpu.dma_semaphore, #tpu.memory_space<semaphore_mem>>) src(%dma_wait3A_33 : memref<2560xi32, #tpu.memory_space<hbm>>) dst(%arg12 : memref<2560xi32, #tpu.memory_space<vmem>>)
      tpu.yield
    }) : () -> ()
    "tpu.region"() ({
      %run_scoped3A = tpu.sem_alloc : memref<!tpu.dma_semaphore, #tpu.memory_space<semaphore_mem>>
      %dma_start3A = arith.constant 0 : i32
      %dma_start3A_32 = tpu.memref_slice %arg5[%select_n3A, %dma_start3A] : memref<4x896xf32, #tpu.memory_space<hbm>> -> memref<1x896xf32, #tpu.memory_space<hbm>>
      %dma_start3A_33 = tpu.memref_squeeze %dma_start3A_32 : memref<1x896xf32, #tpu.memory_space<hbm>> -> memref<896xf32, #tpu.memory_space<hbm>>
      %dma_start3A_34 = arith.constant 0 : i32
      %dma_start3A_35 = tpu.memref_slice %arg5[%select_n3A, %dma_start3A_34] : memref<4x896xf32, #tpu.memory_space<hbm>> -> memref<1x896xf32, #tpu.memory_space<hbm>>
      %dma_start3A_36 = tpu.memref_squeeze %dma_start3A_35 : memref<1x896xf32, #tpu.memory_space<hbm>> -> memref<896xf32, #tpu.memory_space<hbm>>
      tpu.enqueue_dma source(%dma_start3A_36 : memref<896xf32, #tpu.memory_space<hbm>>) target(%arg13 : memref<896xf32, #tpu.memory_space<vmem>>) target_semaphore(%run_scoped3A : memref<!tpu.dma_semaphore, #tpu.memory_space<semaphore_mem>>)
      %dma_wait3A = arith.constant 0 : i32
      %dma_wait3A_37 = tpu.memref_slice %arg5[%select_n3A, %dma_wait3A] : memref<4x896xf32, #tpu.memory_space<hbm>> -> memref<1x896xf32, #tpu.memory_space<hbm>>
      %dma_wait3A_38 = tpu.memref_squeeze %dma_wait3A_37 : memref<1x896xf32, #tpu.memory_space<hbm>> -> memref<896xf32, #tpu.memory_space<hbm>>
      %dma_wait3A_39 = arith.constant 0 : i32
      %dma_wait3A_40 = tpu.memref_slice %arg5[%select_n3A, %dma_wait3A_39] : memref<4x896xf32, #tpu.memory_space<hbm>> -> memref<1x896xf32, #tpu.memory_space<hbm>>
      %dma_wait3A_41 = tpu.memref_squeeze %dma_wait3A_40 : memref<1x896xf32, #tpu.memory_space<hbm>> -> memref<896xf32, #tpu.memory_space<hbm>>
      tpu.wait_dma2 semaphore(%run_scoped3A : memref<!tpu.dma_semaphore, #tpu.memory_space<semaphore_mem>>) src(%dma_wait3A_41 : memref<896xf32, #tpu.memory_space<hbm>>) dst(%arg13 : memref<896xf32, #tpu.memory_space<vmem>>)
      tpu.yield
    }) : () -> ()
    "tpu.region"() ({
      %run_scoped3A = tpu.sem_alloc : memref<!tpu.dma_semaphore, #tpu.memory_space<semaphore_mem>>
      %dma_start3A = arith.constant 0 : i32
      %dma_start3A_32 = tpu.memref_slice %arg6[%select_n3A, %dma_start3A] : memref<4x128xi32, #tpu.memory_space<hbm>> -> memref<1x128xi32, #tpu.memory_space<hbm>>
      %dma_start3A_33 = tpu.memref_squeeze %dma_start3A_32 : memref<1x128xi32, #tpu.memory_space<hbm>> -> memref<128xi32, #tpu.memory_space<hbm>>
      %dma_start3A_34 = arith.constant 0 : i32
      %dma_start3A_35 = tpu.memref_slice %arg6[%select_n3A, %dma_start3A_34] : memref<4x128xi32, #tpu.memory_space<hbm>> -> memref<1x128xi32, #tpu.memory_space<hbm>>
      %dma_start3A_36 = tpu.memref_squeeze %dma_start3A_35 : memref<1x128xi32, #tpu.memory_space<hbm>> -> memref<128xi32, #tpu.memory_space<hbm>>
      tpu.enqueue_dma source(%dma_start3A_36 : memref<128xi32, #tpu.memory_space<hbm>>) target(%arg14 : memref<128xi32, #tpu.memory_space<vmem>>) target_semaphore(%run_scoped3A : memref<!tpu.dma_semaphore, #tpu.memory_space<semaphore_mem>>)
      %dma_wait3A = arith.constant 0 : i32
      %dma_wait3A_37 = tpu.memref_slice %arg6[%select_n3A, %dma_wait3A] : memref<4x128xi32, #tpu.memory_space<hbm>> -> memref<1x128xi32, #tpu.memory_space<hbm>>
      %dma_wait3A_38 = tpu.memref_squeeze %dma_wait3A_37 : memref<1x128xi32, #tpu.memory_space<hbm>> -> memref<128xi32, #tpu.memory_space<hbm>>
      %dma_wait3A_39 = arith.constant 0 : i32
      %dma_wait3A_40 = tpu.memref_slice %arg6[%select_n3A, %dma_wait3A_39] : memref<4x128xi32, #tpu.memory_space<hbm>> -> memref<1x128xi32, #tpu.memory_space<hbm>>
      %dma_wait3A_41 = tpu.memref_squeeze %dma_wait3A_40 : memref<1x128xi32, #tpu.memory_space<hbm>> -> memref<128xi32, #tpu.memory_space<hbm>>
      tpu.wait_dma2 semaphore(%run_scoped3A : memref<!tpu.dma_semaphore, #tpu.memory_space<semaphore_mem>>) src(%dma_wait3A_41 : memref<128xi32, #tpu.memory_space<hbm>>) dst(%arg14 : memref<128xi32, #tpu.memory_space<vmem>>)
      tpu.yield
    }) : () -> ()
    %scan3A = arith.constant 0 : i32
    %scan3A_19 = arith.constant 0 : i32
    %scan3A_20 = arith.constant 8 : i32
    %scan3A_21 = arith.addi %scan3A_19, %scan3A_20 : i32
    %scan3A_22 = arith.constant 1 : i32
    %scan3A_23 = scf.for %scan3A_32 = %scan3A_19 to %scan3A_21 step %scan3A_22 iter_args(%scan3A_33 = %scan3A) -> (i32)  : i32 {
      %mul3A_34 = arith.constant 16 : i32
      %mul3A_35 = arith.muli %scan3A_32, %mul3A_34 : i32
      %add3A_36 = arith.constant 0 : i32
      %add3A_37 = arith.addi %add3A_36, %mul3A_35 : i32
      %get3A = arith.index_cast %add3A_37 : i32 to index
      %get3A_38 = tpu.vector_load %arg13[%get3A] {strides = array<i32>} : memref<896xf32, #tpu.memory_space<vmem>>, vector<16xf32>,
      %add3A_39 = arith.constant 128 : i32
      %add3A_40 = arith.addi %add3A_39, %mul3A_35 : i32
      %get3A_41 = arith.index_cast %add3A_40 : i32 to index
      %get3A_42 = tpu.vector_load %arg13[%get3A_41] {strides = array<i32>} : memref<896xf32, #tpu.memory_space<vmem>>, vector<16xf32>,
      %add3A_43 = arith.constant 256 : i32
      %add3A_44 = arith.addi %add3A_43, %mul3A_35 : i32
      %get3A_45 = arith.index_cast %add3A_44 : i32 to index
      %get3A_46 = tpu.vector_load %arg13[%get3A_45] {strides = array<i32>} : memref<896xf32, #tpu.memory_space<vmem>>, vector<16xf32>,
      %add3A_47 = arith.constant 384 : i32
      %add3A_48 = arith.addi %add3A_47, %mul3A_35 : i32
      %get3A_49 = arith.index_cast %add3A_48 : i32 to index
      %get3A_50 = tpu.vector_load %arg13[%get3A_49] {strides = array<i32>} : memref<896xf32, #tpu.memory_space<vmem>>, vector<16xf32>,
      %add3A_51 = arith.constant 512 : i32
      %add3A_52 = arith.addi %add3A_51, %mul3A_35 : i32
      %get3A_53 = arith.index_cast %add3A_52 : i32 to index
      %get3A_54 = tpu.vector_load %arg13[%get3A_53] {strides = array<i32>} : memref<896xf32, #tpu.memory_space<vmem>>, vector<16xf32>,
      %add3A_55 = arith.constant 640 : i32
      %add3A_56 = arith.addi %add3A_55, %mul3A_35 : i32
      %get3A_57 = arith.index_cast %add3A_56 : i32 to index
      %get3A_58 = tpu.vector_load %arg13[%get3A_57] {strides = array<i32>} : memref<896xf32, #tpu.memory_space<vmem>>, vector<16xf32>,
      %mul3A_59 = arith.constant 5.000000e-01 : f32
      %mul3A_60 = vector.broadcast %mul3A_59 : f32 to vector<16xf32>
      %mul3A_61 = arith.mulf %get3A_50, %mul3A_60 : vector<16xf32>
      %sub3A_62 = arith.subf %get3A_38, %mul3A_61 : vector<16xf32>
      %mul3A_63 = arith.constant 5.000000e-01 : f32
      %mul3A_64 = vector.broadcast %mul3A_63 : f32 to vector<16xf32>
      %mul3A_65 = arith.mulf %get3A_54, %mul3A_64 : vector<16xf32>
      %sub3A_66 = arith.subf %get3A_42, %mul3A_65 : vector<16xf32>
      %mul3A_67 = arith.constant 5.000000e-01 : f32
      %mul3A_68 = vector.broadcast %mul3A_67 : f32 to vector<16xf32>
      %mul3A_69 = arith.mulf %get3A_58, %mul3A_68 : vector<16xf32>
      %sub3A_70 = arith.subf %get3A_46, %mul3A_69 : vector<16xf32>
      %mul3A_71 = arith.constant 5.000000e-01 : f32
      %mul3A_72 = vector.broadcast %mul3A_71 : f32 to vector<16xf32>
      %mul3A_73 = arith.mulf %get3A_50, %mul3A_72 : vector<16xf32>
      %add3A_74 = arith.addf %get3A_38, %mul3A_73 : vector<16xf32>
      %mul3A_75 = arith.constant 5.000000e-01 : f32
      %mul3A_76 = vector.broadcast %mul3A_75 : f32 to vector<16xf32>
      %mul3A_77 = arith.mulf %get3A_54, %mul3A_76 : vector<16xf32>
      %add3A_78 = arith.addf %get3A_42, %mul3A_77 : vector<16xf32>
      %mul3A_79 = arith.constant 5.000000e-01 : f32
      %mul3A_80 = vector.broadcast %mul3A_79 : f32 to vector<16xf32>
      %mul3A_81 = arith.mulf %get3A_58, %mul3A_80 : vector<16xf32>
      %add3A_82 = arith.addf %get3A_46, %mul3A_81 : vector<16xf32>
      %mul3A_83 = arith.mulf %get3A_50, %get3A_54 : vector<16xf32>
      %mul3A_84 = arith.mulf %mul3A_83, %get3A_58 : vector<16xf32>
      %slice3A = vector.extract_strided_slice %sub3A_62 {offsets = [0], sizes = [1], strides = [1]} : vector<16xf32> to vector<1xf32>
      %squeeze3A = vector.extract %slice3A[0] : f32 from vector<1xf32>
      %broadcast_in_dim3A = vector.broadcast %squeeze3A : f32 to vector<16xf32>
      %add3A_85 = arith.constant 0 : i32
      %add3A_86 = arith.addi %add3A_85, %mul3A_35 : i32
      %add3A_87 = arith.constant 0 : i32
      %add3A_88 = arith.addi %add3A_86, %add3A_87 : i32
      %mul3A_89 = arith.constant 16 : i32
      %mul3A_90 = arith.muli %add3A_88, %mul3A_89 : i32
      %swap3A = arith.index_cast %mul3A_90 : i32 to index
      %swap3A_91 = tpu.vector_load %arg15[%swap3A] {strides = array<i32>} : memref<14336xf32, #tpu.memory_space<vmem>>, vector<16xf32>,
      tpu.vector_store %arg15[%swap3A], %broadcast_in_dim3A {strides = array<i32>} : memref<14336xf32, #tpu.memory_space<vmem>>, vector<16xf32>,
      %slice3A_92 = vector.extract_strided_slice %sub3A_62 {offsets = [1], sizes = [1], strides = [1]} : vector<16xf32> to vector<1xf32>
      %squeeze3A_93 = vector.extract %slice3A_92[0] : f32 from vector<1xf32>
      %broadcast_in_dim3A_94 = vector.broadcast %squeeze3A_93 : f32 to vector<16xf32>
      %add3A_95 = arith.constant 0 : i32
      %add3A_96 = arith.addi %add3A_95, %mul3A_35 : i32
      %add3A_97 = arith.constant 1 : i32
      %add3A_98 = arith.addi %add3A_96, %add3A_97 : i32
      %mul3A_99 = arith.constant 16 : i32
      %mul3A_100 = arith.muli %add3A_98, %mul3A_99 : i32
      %swap3A_101 = arith.index_cast %mul3A_100 : i32 to index
      %swap3A_102 = tpu.vector_load %arg15[%swap3A_101] {strides = array<i32>} : memref<14336xf32, #tpu.memory_space<vmem>>, vector<16xf32>,
      tpu.vector_store %arg15[%swap3A_101], %broadcast_in_dim3A_94 {strides = array<i32>} : memref<14336xf32, #tpu.memory_space<vmem>>, vector<16xf32>,
      %slice3A_103 = vector.extract_strided_slice %sub3A_62 {offsets = [2], sizes = [1], strides = [1]} : vector<16xf32> to vector<1xf32>
      %squeeze3A_104 = vector.extract %slice3A_103[0] : f32 from vector<1xf32>
      %broadcast_in_dim3A_105 = vector.broadcast %squeeze3A_104 : f32 to vector<16xf32>
      %add3A_106 = arith.constant 0 : i32
      %add3A_107 = arith.addi %add3A_106, %mul3A_35 : i32
      %add3A_108 = arith.constant 2 : i32
      %add3A_109 = arith.addi %add3A_107, %add3A_108 : i32
      %mul3A_110 = arith.constant 16 : i32
      %mul3A_111 = arith.muli %add3A_109, %mul3A_110 : i32
      %swap3A_112 = arith.index_cast %mul3A_111 : i32 to index
      %swap3A_113 = tpu.vector_load %arg15[%swap3A_112] {strides = array<i32>} : memref<14336xf32, #tpu.memory_space<vmem>>, vector<16xf32>,
      tpu.vector_store %arg15[%swap3A_112], %broadcast_in_dim3A_105 {strides = array<i32>} : memref<14336xf32, #tpu.memory_space<vmem>>, vector<16xf32>,
      %slice3A_114 = vector.extract_strided_slice %sub3A_62 {offsets = [3], sizes = [1], strides = [1]} : vector<16xf32> to vector<1xf32>
      %squeeze3A_115 = vector.extract %slice3A_114[0] : f32 from vector<1xf32>
      %broadcast_in_dim3A_116 = vector.broadcast %squeeze3A_115 : f32 to vector<16xf32>
      %add3A_117 = arith.constant 0 : i32
      %add3A_118 = arith.addi %add3A_117, %mul3A_35 : i32
      %add3A_119 = arith.constant 3 : i32
      %add3A_120 = arith.addi %add3A_118, %add3A_119 : i32
      %mul3A_121 = arith.constant 16 : i32
      %mul3A_122 = arith.muli %add3A_120, %mul3A_121 : i32
      %swap3A_123 = arith.index_cast %mul3A_122 : i32 to index
      %swap3A_124 = tpu.vector_load %arg15[%swap3A_123] {strides = array<i32>} : memref<14336xf32, #tpu.memory_space<vmem>>, vector<16xf32>,
      tpu.vector_store %arg15[%swap3A_123], %broadcast_in_dim3A_116 {strides = array<i32>} : memref<14336xf32, #tpu.memory_space<vmem>>, vector<16xf32>,
      %slice3A_125 = vector.extract_strided_slice %sub3A_62 {offsets = [4], sizes = [1], strides = [1]} : vector<16xf32> to vector<1xf32>
      %squeeze3A_126 = vector.extract %slice3A_125[0] : f32 from vector<1xf32>
      %broadcast_in_dim3A_127 = vector.broadcast %squeeze3A_126 : f32 to vector<16xf32>
      %add3A_128 = arith.constant 0 : i32
      %add3A_129 = arith.addi %add3A_128, %mul3A_35 : i32
      %add3A_130 = arith.constant 4 : i32
      %add3A_131 = arith.addi %add3A_129, %add3A_130 : i32
      %mul3A_132 = arith.constant 16 : i32
      %mul3A_133 = arith.muli %add3A_131, %mul3A_132 : i32
      %swap3A_134 = arith.index_cast %mul3A_133 : i32 to index
      %swap3A_135 = tpu.vector_load %arg15[%swap3A_134] {strides = array<i32>} : memref<14336xf32, #tpu.memory_space<vmem>>, vector<16xf32>,
      tpu.vector_store %arg15[%swap3A_134], %broadcast_in_dim3A_127 {strides = array<i32>} : memref<14336xf32, #tpu.memory_space<vmem>>, vector<16xf32>,
      %slice3A_136 = vector.extract_strided_slice %sub3A_62 {offsets = [5], sizes = [1], strides = [1]} : vector<16xf32> to vector<1xf32>
      %squeeze3A_137 = vector.extract %slice3A_136[0] : f32 from vector<1xf32>
      %broadcast_in_dim3A_138 = vector.broadcast %squeeze3A_137 : f32 to vector<16xf32>
      %add3A_139 = arith.constant 0 : i32
      %add3A_140 = arith.addi %add3A_139, %mul3A_35 : i32
      %add3A_141 = arith.constant 5 : i32
      %add3A_142 = arith.addi %add3A_140, %add3A_141 : i32
      %mul3A_143 = arith.constant 16 : i32
      %mul3A_144 = arith.muli %add3A_142, %mul3A_143 : i32
      %swap3A_145 = arith.index_cast %mul3A_144 : i32 to index
      %swap3A_146 = tpu.vector_load %arg15[%swap3A_145] {strides = array<i32>} : memref<14336xf32, #tpu.memory_space<vmem>>, vector<16xf32>,
      tpu.vector_store %arg15[%swap3A_145], %broadcast_in_dim3A_138 {strides = array<i32>} : memref<14336xf32, #tpu.memory_space<vmem>>, vector<16xf32>,
      %slice3A_147 = vector.extract_strided_slice %sub3A_62 {offsets = [6], sizes = [1], strides = [1]} : vector<16xf32> to vector<1xf32>
      %squeeze3A_148 = vector.extract %slice3A_147[0] : f32 from vector<1xf32>
      %broadcast_in_dim3A_149 = vector.broadcast %squeeze3A_148 : f32 to vector<16xf32>
      %add3A_150 = arith.constant 0 : i32
      %add3A_151 = arith.addi %add3A_150, %mul3A_35 : i32
      %add3A_152 = arith.constant 6 : i32
      %add3A_153 = arith.addi %add3A_151, %add3A_152 : i32
      %mul3A_154 = arith.constant 16 : i32
      %mul3A_155 = arith.muli %add3A_153, %mul3A_154 : i32
      %swap3A_156 = arith.index_cast %mul3A_155 : i32 to index
      %swap3A_157 = tpu.vector_load %arg15[%swap3A_156] {strides = array<i32>} : memref<14336xf32, #tpu.memory_space<vmem>>, vector<16xf32>,
      tpu.vector_store %arg15[%swap3A_156], %broadcast_in_dim3A_149 {strides = array<i32>} : memref<14336xf32, #tpu.memory_space<vmem>>, vector<16xf32>,
      %slice3A_158 = vector.extract_strided_slice %sub3A_62 {offsets = [7], sizes = [1], strides = [1]} : vector<16xf32> to vector<1xf32>
      %squeeze3A_159 = vector.extract %slice3A_158[0] : f32 from vector<1xf32>
      %broadcast_in_dim3A_160 = vector.broadcast %squeeze3A_159 : f32 to vector<16xf32>
      %add3A_161 = arith.constant 0 : i32
      %add3A_162 = arith.addi %add3A_161, %mul3A_35 : i32
      %add3A_163 = arith.constant 7 : i32
      %add3A_164 = arith.addi %add3A_162, %add3A_163 : i32
      %mul3A_165 = arith.constant 16 : i32
      %mul3A_166 = arith.muli %add3A_164, %mul3A_165 : i32
      %swap3A_167 = arith.index_cast %mul3A_166 : i32 to index
      %swap3A_168 = tpu.vector_load %arg15[%swap3A_167] {strides = array<i32>} : memref<14336xf32, #tpu.memory_space<vmem>>, vector<16xf32>,
      tpu.vector_store %arg15[%swap3A_167], %broadcast_in_dim3A_160 {strides = array<i32>} : memref<14336xf32, #tpu.memory_space<vmem>>, vector<16xf32>,
      %slice3A_169 = vector.extract_strided_slice %sub3A_62 {offsets = [8], sizes = [1], strides = [1]} : vector<16xf32> to vector<1xf32>
      %squeeze3A_170 = vector.extract %slice3A_169[0] : f32 from vector<1xf32>
      %broadcast_in_dim3A_171 = vector.broadcast %squeeze3A_170 : f32 to vector<16xf32>
      %add3A_172 = arith.constant 0 : i32
      %add3A_173 = arith.addi %add3A_172, %mul3A_35 : i32
      %add3A_174 = arith.constant 8 : i32
      %add3A_175 = arith.addi %add3A_173, %add3A_174 : i32
      %mul3A_176 = arith.constant 16 : i32
      %mul3A_177 = arith.muli %add3A_175, %mul3A_176 : i32
      %swap3A_178 = arith.index_cast %mul3A_177 : i32 to index
      %swap3A_179 = tpu.vector_load %arg15[%swap3A_178] {strides = array<i32>} : memref<14336xf32, #tpu.memory_space<vmem>>, vector<16xf32>,
      tpu.vector_store %arg15[%swap3A_178], %broadcast_in_dim3A_171 {strides = array<i32>} : memref<14336xf32, #tpu.memory_space<vmem>>, vector<16xf32>,
      %slice3A_180 = vector.extract_strided_slice %sub3A_62 {offsets = [9], sizes = [1], strides = [1]} : vector<16xf32> to vector<1xf32>
      %squeeze3A_181 = vector.extract %slice3A_180[0] : f32 from vector<1xf32>
      %broadcast_in_dim3A_182 = vector.broadcast %squeeze3A_181 : f32 to vector<16xf32>
      %add3A_183 = arith.constant 0 : i32
      %add3A_184 = arith.addi %add3A_183, %mul3A_35 : i32
      %add3A_185 = arith.constant 9 : i32
      %add3A_186 = arith.addi %add3A_184, %add3A_185 : i32
      %mul3A_187 = arith.constant 16 : i32
      %mul3A_188 = arith.muli %add3A_186, %mul3A_187 : i32
      %swap3A_189 = arith.index_cast %mul3A_188 : i32 to index
      %swap3A_190 = tpu.vector_load %arg15[%swap3A_189] {strides = array<i32>} : memref<14336xf32, #tpu.memory_space<vmem>>, vector<16xf32>,
      tpu.vector_store %arg15[%swap3A_189], %broadcast_in_dim3A_182 {strides = array<i32>} : memref<14336xf32, #tpu.memory_space<vmem>>, vector<16xf32>,
      %slice3A_191 = vector.extract_strided_slice %sub3A_62 {offsets = [10], sizes = [1], strides = [1]} : vector<16xf32> to vector<1xf32>
      %squeeze3A_192 = vector.extract %slice3A_191[0] : f32 from vector<1xf32>
      %broadcast_in_dim3A_193 = vector.broadcast %squeeze3A_192 : f32 to vector<16xf32>
      %add3A_194 = arith.constant 0 : i32
      %add3A_195 = arith.addi %add3A_194, %mul3A_35 : i32
      %add3A_196 = arith.constant 10 : i32
      %add3A_197 = arith.addi %add3A_195, %add3A_196 : i32
      %mul3A_198 = arith.constant 16 : i32
      %mul3A_199 = arith.muli %add3A_197, %mul3A_198 : i32
      %swap3A_200 = arith.index_cast %mul3A_199 : i32 to index
      %swap3A_201 = tpu.vector_load %arg15[%swap3A_200] {strides = array<i32>} : memref<14336xf32, #tpu.memory_space<vmem>>, vector<16xf32>,
      tpu.vector_store %arg15[%swap3A_200], %broadcast_in_dim3A_193 {strides = array<i32>} : memref<14336xf32, #tpu.memory_space<vmem>>, vector<16xf32>,
      %slice3A_202 = vector.extract_strided_slice %sub3A_62 {offsets = [11], sizes = [1], strides = [1]} : vector<16xf32> to vector<1xf32>
      %squeeze3A_203 = vector.extract %slice3A_202[0] : f32 from vector<1xf32>
      %broadcast_in_dim3A_204 = vector.broadcast %squeeze3A_203 : f32 to vector<16xf32>
      %add3A_205 = arith.constant 0 : i32
      %add3A_206 = arith.addi %add3A_205, %mul3A_35 : i32
      %add3A_207 = arith.constant 11 : i32
      %add3A_208 = arith.addi %add3A_206, %add3A_207 : i32
      %mul3A_209 = arith.constant 16 : i32
      %mul3A_210 = arith.muli %add3A_208, %mul3A_209 : i32
      %swap3A_211 = arith.index_cast %mul3A_210 : i32 to index
      %swap3A_212 = tpu.vector_load %arg15[%swap3A_211] {strides = array<i32>} : memref<14336xf32, #tpu.memory_space<vmem>>, vector<16xf32>,
      tpu.vector_store %arg15[%swap3A_211], %broadcast_in_dim3A_204 {strides = array<i32>} : memref<14336xf32, #tpu.memory_space<vmem>>, vector<16xf32>,
      %slice3A_213 = vector.extract_strided_slice %sub3A_62 {offsets = [12], sizes = [1], strides = [1]} : vector<16xf32> to vector<1xf32>
      %squeeze3A_214 = vector.extract %slice3A_213[0] : f32 from vector<1xf32>
      %broadcast_in_dim3A_215 = vector.broadcast %squeeze3A_214 : f32 to vector<16xf32>
      %add3A_216 = arith.constant 0 : i32
      %add3A_217 = arith.addi %add3A_216, %mul3A_35 : i32
      %add3A_218 = arith.constant 12 : i32
      %add3A_219 = arith.addi %add3A_217, %add3A_218 : i32
      %mul3A_220 = arith.constant 16 : i32
      %mul3A_221 = arith.muli %add3A_219, %mul3A_220 : i32
      %swap3A_222 = arith.index_cast %mul3A_221 : i32 to index
      %swap3A_223 = tpu.vector_load %arg15[%swap3A_222] {strides = array<i32>} : memref<14336xf32, #tpu.memory_space<vmem>>, vector<16xf32>,
      tpu.vector_store %arg15[%swap3A_222], %broadcast_in_dim3A_215 {strides = array<i32>} : memref<14336xf32, #tpu.memory_space<vmem>>, vector<16xf32>,
      %slice3A_224 = vector.extract_strided_slice %sub3A_62 {offsets = [13], sizes = [1], strides = [1]} : vector<16xf32> to vector<1xf32>
      %squeeze3A_225 = vector.extract %slice3A_224[0] : f32 from vector<1xf32>
      %broadcast_in_dim3A_226 = vector.broadcast %squeeze3A_225 : f32 to vector<16xf32>
      %add3A_227 = arith.constant 0 : i32
      %add3A_228 = arith.addi %add3A_227, %mul3A_35 : i32
      %add3A_229 = arith.constant 13 : i32
      %add3A_230 = arith.addi %add3A_228, %add3A_229 : i32
      %mul3A_231 = arith.constant 16 : i32
      %mul3A_232 = arith.muli %add3A_230, %mul3A_231 : i32
      %swap3A_233 = arith.index_cast %mul3A_232 : i32 to index
      %swap3A_234 = tpu.vector_load %arg15[%swap3A_233] {strides = array<i32>} : memref<14336xf32, #tpu.memory_space<vmem>>, vector<16xf32>,
      tpu.vector_store %arg15[%swap3A_233], %broadcast_in_dim3A_226 {strides = array<i32>} : memref<14336xf32, #tpu.memory_space<vmem>>, vector<16xf32>,
      %slice3A_235 = vector.extract_strided_slice %sub3A_62 {offsets = [14], sizes = [1], strides = [1]} : vector<16xf32> to vector<1xf32>
      %squeeze3A_236 = vector.extract %slice3A_235[0] : f32 from vector<1xf32>
      %broadcast_in_dim3A_237 = vector.broadcast %squeeze3A_236 : f32 to vector<16xf32>
      %add3A_238 = arith.constant 0 : i32
      %add3A_239 = arith.addi %add3A_238, %mul3A_35 : i32
      %add3A_240 = arith.constant 14 : i32
      %add3A_241 = arith.addi %add3A_239, %add3A_240 : i32
      %mul3A_242 = arith.constant 16 : i32
      %mul3A_243 = arith.muli %add3A_241, %mul3A_242 : i32
      %swap3A_244 = arith.index_cast %mul3A_243 : i32 to index
      %swap3A_245 = tpu.vector_load %arg15[%swap3A_244] {strides = array<i32>} : memref<14336xf32, #tpu.memory_space<vmem>>, vector<16xf32>,
      tpu.vector_store %arg15[%swap3A_244], %broadcast_in_dim3A_237 {strides = array<i32>} : memref<14336xf32, #tpu.memory_space<vmem>>, vector<16xf32>,
      %slice3A_246 = vector.extract_strided_slice %sub3A_62 {offsets = [15], sizes = [1], strides = [1]} : vector<16xf32> to vector<1xf32>
      %squeeze3A_247 = vector.extract %slice3A_246[0] : f32 from vector<1xf32>
      %broadcast_in_dim3A_248 = vector.broadcast %squeeze3A_247 : f32 to vector<16xf32>
      %add3A_249 = arith.constant 0 : i32
      %add3A_250 = arith.addi %add3A_249, %mul3A_35 : i32
      %add3A_251 = arith.constant 15 : i32
      %add3A_252 = arith.addi %add3A_250, %add3A_251 : i32
      %mul3A_253 = arith.constant 16 : i32
      %mul3A_254 = arith.muli %add3A_252, %mul3A_253 : i32
      %swap3A_255 = arith.index_cast %mul3A_254 : i32 to index
      %swap3A_256 = tpu.vector_load %arg15[%swap3A_255] {strides = array<i32>} : memref<14336xf32, #tpu.memory_space<vmem>>, vector<16xf32>,
      tpu.vector_store %arg15[%swap3A_255], %broadcast_in_dim3A_248 {strides = array<i32>} : memref<14336xf32, #tpu.memory_space<vmem>>, vector<16xf32>,
      %slice3A_257 = vector.extract_strided_slice %sub3A_66 {offsets = [0], sizes = [1], strides = [1]} : vector<16xf32> to vector<1xf32>
      %squeeze3A_258 = vector.extract %slice3A_257[0] : f32 from vector<1xf32>
      %broadcast_in_dim3A_259 = vector.broadcast %squeeze3A_258 : f32 to vector<16xf32>
      %add3A_260 = arith.constant 128 : i32
      %add3A_261 = arith.addi %add3A_260, %mul3A_35 : i32
      %add3A_262 = arith.constant 0 : i32
      %add3A_263 = arith.addi %add3A_261, %add3A_262 : i32
      %mul3A_264 = arith.constant 16 : i32
      %mul3A_265 = arith.muli %add3A_263, %mul3A_264 : i32
      %swap3A_266 = arith.index_cast %mul3A_265 : i32 to index
      %swap3A_267 = tpu.vector_load %arg15[%swap3A_266] {strides = array<i32>} : memref<14336xf32, #tpu.memory_space<vmem>>, vector<16xf32>,
      tpu.vector_store %arg15[%swap3A_266], %broadcast_in_dim3A_259 {strides = array<i32>} : memref<14336xf32, #tpu.memory_space<vmem>>, vector<16xf32>,
      %slice3A_268 = vector.extract_strided_slice %sub3A_66 {offsets = [1], sizes = [1], strides = [1]} : vector<16xf32> to vector<1xf32>
      %squeeze3A_269 = vector.extract %slice3A_268[0] : f32 from vector<1xf32>
      %broadcast_in_dim3A_270 = vector.broadcast %squeeze3A_269 : f32 to vector<16xf32>
      %add3A_271 = arith.constant 128 : i32
      %add3A_272 = arith.addi %add3A_271, %mul3A_35 : i32
      %add3A_273 = arith.constant 1 : i32
      %add3A_274 = arith.addi %add3A_272, %add3A_273 : i32
      %mul3A_275 = arith.constant 16 : i32
      %mul3A_276 = arith.muli %add3A_274, %mul3A_275 : i32
      %swap3A_277 = arith.index_cast %mul3A_276 : i32 to index
      %swap3A_278 = tpu.vector_load %arg15[%swap3A_277] {strides = array<i32>} : memref<14336xf32, #tpu.memory_space<vmem>>, vector<16xf32>,
      tpu.vector_store %arg15[%swap3A_277], %broadcast_in_dim3A_270 {strides = array<i32>} : memref<14336xf32, #tpu.memory_space<vmem>>, vector<16xf32>,
      %slice3A_279 = vector.extract_strided_slice %sub3A_66 {offsets = [2], sizes = [1], strides = [1]} : vector<16xf32> to vector<1xf32>
      %squeeze3A_280 = vector.extract %slice3A_279[0] : f32 from vector<1xf32>
      %broadcast_in_dim3A_281 = vector.broadcast %squeeze3A_280 : f32 to vector<16xf32>
      %add3A_282 = arith.constant 128 : i32
      %add3A_283 = arith.addi %add3A_282, %mul3A_35 : i32
      %add3A_284 = arith.constant 2 : i32
      %add3A_285 = arith.addi %add3A_283, %add3A_284 : i32
      %mul3A_286 = arith.constant 16 : i32
      %mul3A_287 = arith.muli %add3A_285, %mul3A_286 : i32
      %swap3A_288 = arith.index_cast %mul3A_287 : i32 to index
      %swap3A_289 = tpu.vector_load %arg15[%swap3A_288] {strides = array<i32>} : memref<14336xf32, #tpu.memory_space<vmem>>, vector<16xf32>,
      tpu.vector_store %arg15[%swap3A_288], %broadcast_in_dim3A_281 {strides = array<i32>} : memref<14336xf32, #tpu.memory_space<vmem>>, vector<16xf32>,
      %slice3A_290 = vector.extract_strided_slice %sub3A_66 {offsets = [3], sizes = [1], strides = [1]} : vector<16xf32> to vector<1xf32>
      %squeeze3A_291 = vector.extract %slice3A_290[0] : f32 from vector<1xf32>
      %broadcast_in_dim3A_292 = vector.broadcast %squeeze3A_291 : f32 to vector<16xf32>
      %add3A_293 = arith.constant 128 : i32
      %add3A_294 = arith.addi %add3A_293, %mul3A_35 : i32
      %add3A_295 = arith.constant 3 : i32
      %add3A_296 = arith.addi %add3A_294, %add3A_295 : i32
      %mul3A_297 = arith.constant 16 : i32
      %mul3A_298 = arith.muli %add3A_296, %mul3A_297 : i32
      %swap3A_299 = arith.index_cast %mul3A_298 : i32 to index
      %swap3A_300 = tpu.vector_load %arg15[%swap3A_299] {strides = array<i32>} : memref<14336xf32, #tpu.memory_space<vmem>>, vector<16xf32>,
      tpu.vector_store %arg15[%swap3A_299], %broadcast_in_dim3A_292 {strides = array<i32>} : memref<14336xf32, #tpu.memory_space<vmem>>, vector<16xf32>,
      %slice3A_301 = vector.extract_strided_slice %sub3A_66 {offsets = [4], sizes = [1], strides = [1]} : vector<16xf32> to vector<1xf32>
      %squeeze3A_302 = vector.extract %slice3A_301[0] : f32 from vector<1xf32>
      %broadcast_in_dim3A_303 = vector.broadcast %squeeze3A_302 : f32 to vector<16xf32>
      %add3A_304 = arith.constant 128 : i32
      %add3A_305 = arith.addi %add3A_304, %mul3A_35 : i32
      %add3A_306 = arith.constant 4 : i32
      %add3A_307 = arith.addi %add3A_305, %add3A_306 : i32
      %mul3A_308 = arith.constant 16 : i32
      %mul3A_309 = arith.muli %add3A_307, %mul3A_308 : i32
      %swap3A_310 = arith.index_cast %mul3A_309 : i32 to index
      %swap3A_311 = tpu.vector_load %arg15[%swap3A_310] {strides = array<i32>} : memref<14336xf32, #tpu.memory_space<vmem>>, vector<16xf32>,
      tpu.vector_store %arg15[%swap3A_310], %broadcast_in_dim3A_303 {strides = array<i32>} : memref<14336xf32, #tpu.memory_space<vmem>>, vector<16xf32>,
      %slice3A_312 = vector.extract_strided_slice %sub3A_66 {offsets = [5], sizes = [1], strides = [1]} : vector<16xf32> to vector<1xf32>
      %squeeze3A_313 = vector.extract %slice3A_312[0] : f32 from vector<1xf32>
      %broadcast_in_dim3A_314 = vector.broadcast %squeeze3A_313 : f32 to vector<16xf32>
      %add3A_315 = arith.constant 128 : i32
      %add3A_316 = arith.addi %add3A_315, %mul3A_35 : i32
      %add3A_317 = arith.constant 5 : i32
      %add3A_318 = arith.addi %add3A_316, %add3A_317 : i32
      %mul3A_319 = arith.constant 16 : i32
      %mul3A_320 = arith.muli %add3A_318, %mul3A_319 : i32
      %swap3A_321 = arith.index_cast %mul3A_320 : i32 to index
      %swap3A_322 = tpu.vector_load %arg15[%swap3A_321] {strides = array<i32>} : memref<14336xf32, #tpu.memory_space<vmem>>, vector<16xf32>,
      tpu.vector_store %arg15[%swap3A_321], %broadcast_in_dim3A_314 {strides = array<i32>} : memref<14336xf32, #tpu.memory_space<vmem>>, vector<16xf32>,
      %slice3A_323 = vector.extract_strided_slice %sub3A_66 {offsets = [6], sizes = [1], strides = [1]} : vector<16xf32> to vector<1xf32>
      %squeeze3A_324 = vector.extract %slice3A_323[0] : f32 from vector<1xf32>
      %broadcast_in_dim3A_325 = vector.broadcast %squeeze3A_324 : f32 to vector<16xf32>
      %add3A_326 = arith.constant 128 : i32
      %add3A_327 = arith.addi %add3A_326, %mul3A_35 : i32
      %add3A_328 = arith.constant 6 : i32
      %add3A_329 = arith.addi %add3A_327, %add3A_328 : i32
      %mul3A_330 = arith.constant 16 : i32
      %mul3A_331 = arith.muli %add3A_329, %mul3A_330 : i32
      %swap3A_332 = arith.index_cast %mul3A_331 : i32 to index
      %swap3A_333 = tpu.vector_load %arg15[%swap3A_332] {strides = array<i32>} : memref<14336xf32, #tpu.memory_space<vmem>>, vector<16xf32>,
      tpu.vector_store %arg15[%swap3A_332], %broadcast_in_dim3A_325 {strides = array<i32>} : memref<14336xf32, #tpu.memory_space<vmem>>, vector<16xf32>,
      %slice3A_334 = vector.extract_strided_slice %sub3A_66 {offsets = [7], sizes = [1], strides = [1]} : vector<16xf32> to vector<1xf32>
      %squeeze3A_335 = vector.extract %slice3A_334[0] : f32 from vector<1xf32>
      %broadcast_in_dim3A_336 = vector.broadcast %squeeze3A_335 : f32 to vector<16xf32>
      %add3A_337 = arith.constant 128 : i32
      %add3A_338 = arith.addi %add3A_337, %mul3A_35 : i32
      %add3A_339 = arith.constant 7 : i32
      %add3A_340 = arith.addi %add3A_338, %add3A_339 : i32
      %mul3A_341 = arith.constant 16 : i32
      %mul3A_342 = arith.muli %add3A_340, %mul3A_341 : i32
      %swap3A_343 = arith.index_cast %mul3A_342 : i32 to index
      %swap3A_344 = tpu.vector_load %arg15[%swap3A_343] {strides = array<i32>} : memref<14336xf32, #tpu.memory_space<vmem>>, vector<16xf32>,
      tpu.vector_store %arg15[%swap3A_343], %broadcast_in_dim3A_336 {strides = array<i32>} : memref<14336xf32, #tpu.memory_space<vmem>>, vector<16xf32>,
      %slice3A_345 = vector.extract_strided_slice %sub3A_66 {offsets = [8], sizes = [1], strides = [1]} : vector<16xf32> to vector<1xf32>
      %squeeze3A_346 = vector.extract %slice3A_345[0] : f32 from vector<1xf32>
      %broadcast_in_dim3A_347 = vector.broadcast %squeeze3A_346 : f32 to vector<16xf32>
      %add3A_348 = arith.constant 128 : i32
      %add3A_349 = arith.addi %add3A_348, %mul3A_35 : i32
      %add3A_350 = arith.constant 8 : i32
      %add3A_351 = arith.addi %add3A_349, %add3A_350 : i32
      %mul3A_352 = arith.constant 16 : i32
      %mul3A_353 = arith.muli %add3A_351, %mul3A_352 : i32
      %swap3A_354 = arith.index_cast %mul3A_353 : i32 to index
      %swap3A_355 = tpu.vector_load %arg15[%swap3A_354] {strides = array<i32>} : memref<14336xf32, #tpu.memory_space<vmem>>, vector<16xf32>,
      tpu.vector_store %arg15[%swap3A_354], %broadcast_in_dim3A_347 {strides = array<i32>} : memref<14336xf32, #tpu.memory_space<vmem>>, vector<16xf32>,
      %slice3A_356 = vector.extract_strided_slice %sub3A_66 {offsets = [9], sizes = [1], strides = [1]} : vector<16xf32> to vector<1xf32>
      %squeeze3A_357 = vector.extract %slice3A_356[0] : f32 from vector<1xf32>
      %broadcast_in_dim3A_358 = vector.broadcast %squeeze3A_357 : f32 to vector<16xf32>
      %add3A_359 = arith.constant 128 : i32
      %add3A_360 = arith.addi %add3A_359, %mul3A_35 : i32
      %add3A_361 = arith.constant 9 : i32
      %add3A_362 = arith.addi %add3A_360, %add3A_361 : i32
      %mul3A_363 = arith.constant 16 : i32
      %mul3A_364 = arith.muli %add3A_362, %mul3A_363 : i32
      %swap3A_365 = arith.index_cast %mul3A_364 : i32 to index
      %swap3A_366 = tpu.vector_load %arg15[%swap3A_365] {strides = array<i32>} : memref<14336xf32, #tpu.memory_space<vmem>>, vector<16xf32>,
      tpu.vector_store %arg15[%swap3A_365], %broadcast_in_dim3A_358 {strides = array<i32>} : memref<14336xf32, #tpu.memory_space<vmem>>, vector<16xf32>,
      %slice3A_367 = vector.extract_strided_slice %sub3A_66 {offsets = [10], sizes = [1], strides = [1]} : vector<16xf32> to vector<1xf32>
      %squeeze3A_368 = vector.extract %slice3A_367[0] : f32 from vector<1xf32>
      %broadcast_in_dim3A_369 = vector.broadcast %squeeze3A_368 : f32 to vector<16xf32>
      %add3A_370 = arith.constant 128 : i32
      %add3A_371 = arith.addi %add3A_370, %mul3A_35 : i32
      %add3A_372 = arith.constant 10 : i32
      %add3A_373 = arith.addi %add3A_371, %add3A_372 : i32
      %mul3A_374 = arith.constant 16 : i32
      %mul3A_375 = arith.muli %add3A_373, %mul3A_374 : i32
      %swap3A_376 = arith.index_cast %mul3A_375 : i32 to index
      %swap3A_377 = tpu.vector_load %arg15[%swap3A_376] {strides = array<i32>} : memref<14336xf32, #tpu.memory_space<vmem>>, vector<16xf32>,
      tpu.vector_store %arg15[%swap3A_376], %broadcast_in_dim3A_369 {strides = array<i32>} : memref<14336xf32, #tpu.memory_space<vmem>>, vector<16xf32>,
      %slice3A_378 = vector.extract_strided_slice %sub3A_66 {offsets = [11], sizes = [1], strides = [1]} : vector<16xf32> to vector<1xf32>
      %squeeze3A_379 = vector.extract %slice3A_378[0] : f32 from vector<1xf32>
      %broadcast_in_dim3A_380 = vector.broadcast %squeeze3A_379 : f32 to vector<16xf32>
      %add3A_381 = arith.constant 128 : i32
      %add3A_382 = arith.addi %add3A_381, %mul3A_35 : i32
      %add3A_383 = arith.constant 11 : i32
      %add3A_384 = arith.addi %add3A_382, %add3A_383 : i32
      %mul3A_385 = arith.constant 16 : i32
      %mul3A_386 = arith.muli %add3A_384, %mul3A_385 : i32
      %swap3A_387 = arith.index_cast %mul3A_386 : i32 to index
      %swap3A_388 = tpu.vector_load %arg15[%swap3A_387] {strides = array<i32>} : memref<14336xf32, #tpu.memory_space<vmem>>, vector<16xf32>,
      tpu.vector_store %arg15[%swap3A_387], %broadcast_in_dim3A_380 {strides = array<i32>} : memref<14336xf32, #tpu.memory_space<vmem>>, vector<16xf32>,
      %slice3A_389 = vector.extract_strided_slice %sub3A_66 {offsets = [12], sizes = [1], strides = [1]} : vector<16xf32> to vector<1xf32>
      %squeeze3A_390 = vector.extract %slice3A_389[0] : f32 from vector<1xf32>
      %broadcast_in_dim3A_391 = vector.broadcast %squeeze3A_390 : f32 to vector<16xf32>
      %add3A_392 = arith.constant 128 : i32
      %add3A_393 = arith.addi %add3A_392, %mul3A_35 : i32
      %add3A_394 = arith.constant 12 : i32
      %add3A_395 = arith.addi %add3A_393, %add3A_394 : i32
      %mul3A_396 = arith.constant 16 : i32
      %mul3A_397 = arith.muli %add3A_395, %mul3A_396 : i32
      %swap3A_398 = arith.index_cast %mul3A_397 : i32 to index
      %swap3A_399 = tpu.vector_load %arg15[%swap3A_398] {strides = array<i32>} : memref<14336xf32, #tpu.memory_space<vmem>>, vector<16xf32>,
      tpu.vector_store %arg15[%swap3A_398], %broadcast_in_dim3A_391 {strides = array<i32>} : memref<14336xf32, #tpu.memory_space<vmem>>, vector<16xf32>,
      %slice3A_400 = vector.extract_strided_slice %sub3A_66 {offsets = [13], sizes = [1], strides = [1]} : vector<16xf32> to vector<1xf32>
      %squeeze3A_401 = vector.extract %slice3A_400[0] : f32 from vector<1xf32>
      %broadcast_in_dim3A_402 = vector.broadcast %squeeze3A_401 : f32 to vector<16xf32>
      %add3A_403 = arith.constant 128 : i32
      %add3A_404 = arith.addi %add3A_403, %mul3A_35 : i32
      %add3A_405 = arith.constant 13 : i32
      %add3A_406 = arith.addi %add3A_404, %add3A_405 : i32
      %mul3A_407 = arith.constant 16 : i32
      %mul3A_408 = arith.muli %add3A_406, %mul3A_407 : i32
      %swap3A_409 = arith.index_cast %mul3A_408 : i32 to index
      %swap3A_410 = tpu.vector_load %arg15[%swap3A_409] {strides = array<i32>} : memref<14336xf32, #tpu.memory_space<vmem>>, vector<16xf32>,
      tpu.vector_store %arg15[%swap3A_409], %broadcast_in_dim3A_402 {strides = array<i32>} : memref<14336xf32, #tpu.memory_space<vmem>>, vector<16xf32>,
      %slice3A_411 = vector.extract_strided_slice %sub3A_66 {offsets = [14], sizes = [1], strides = [1]} : vector<16xf32> to vector<1xf32>
      %squeeze3A_412 = vector.extract %slice3A_411[0] : f32 from vector<1xf32>
      %broadcast_in_dim3A_413 = vector.broadcast %squeeze3A_412 : f32 to vector<16xf32>
      %add3A_414 = arith.constant 128 : i32
      %add3A_415 = arith.addi %add3A_414, %mul3A_35 : i32
      %add3A_416 = arith.constant 14 : i32
      %add3A_417 = arith.addi %add3A_415, %add3A_416 : i32
      %mul3A_418 = arith.constant 16 : i32
      %mul3A_419 = arith.muli %add3A_417, %mul3A_418 : i32
      %swap3A_420 = arith.index_cast %mul3A_419 : i32 to index
      %swap3A_421 = tpu.vector_load %arg15[%swap3A_420] {strides = array<i32>} : memref<14336xf32, #tpu.memory_space<vmem>>, vector<16xf32>,
      tpu.vector_store %arg15[%swap3A_420], %broadcast_in_dim3A_413 {strides = array<i32>} : memref<14336xf32, #tpu.memory_space<vmem>>, vector<16xf32>,
      %slice3A_422 = vector.extract_strided_slice %sub3A_66 {offsets = [15], sizes = [1], strides = [1]} : vector<16xf32> to vector<1xf32>
      %squeeze3A_423 = vector.extract %slice3A_422[0] : f32 from vector<1xf32>
      %broadcast_in_dim3A_424 = vector.broadcast %squeeze3A_423 : f32 to vector<16xf32>
      %add3A_425 = arith.constant 128 : i32
      %add3A_426 = arith.addi %add3A_425, %mul3A_35 : i32
      %add3A_427 = arith.constant 15 : i32
      %add3A_428 = arith.addi %add3A_426, %add3A_427 : i32
      %mul3A_429 = arith.constant 16 : i32
      %mul3A_430 = arith.muli %add3A_428, %mul3A_429 : i32
      %swap3A_431 = arith.index_cast %mul3A_430 : i32 to index
      %swap3A_432 = tpu.vector_load %arg15[%swap3A_431] {strides = array<i32>} : memref<14336xf32, #tpu.memory_space<vmem>>, vector<16xf32>,
      tpu.vector_store %arg15[%swap3A_431], %broadcast_in_dim3A_424 {strides = array<i32>} : memref<14336xf32, #tpu.memory_space<vmem>>, vector<16xf32>,
      %slice3A_433 = vector.extract_strided_slice %sub3A_70 {offsets = [0], sizes = [1], strides = [1]} : vector<16xf32> to vector<1xf32>
      %squeeze3A_434 = vector.extract %slice3A_433[0] : f32 from vector<1xf32>
      %broadcast_in_dim3A_435 = vector.broadcast %squeeze3A_434 : f32 to vector<16xf32>
      %add3A_436 = arith.constant 256 : i32
      %add3A_437 = arith.addi %add3A_436, %mul3A_35 : i32
      %add3A_438 = arith.constant 0 : i32
      %add3A_439 = arith.addi %add3A_437, %add3A_438 : i32
      %mul3A_440 = arith.constant 16 : i32
      %mul3A_441 = arith.muli %add3A_439, %mul3A_440 : i32
      %swap3A_442 = arith.index_cast %mul3A_441 : i32 to index
      %swap3A_443 = tpu.vector_load %arg15[%swap3A_442] {strides = array<i32>} : memref<14336xf32, #tpu.memory_space<vmem>>, vector<16xf32>,
      tpu.vector_store %arg15[%swap3A_442], %broadcast_in_dim3A_435 {strides = array<i32>} : memref<14336xf32, #tpu.memory_space<vmem>>, vector<16xf32>,
      %slice3A_444 = vector.extract_strided_slice %sub3A_70 {offsets = [1], sizes = [1], strides = [1]} : vector<16xf32> to vector<1xf32>
      %squeeze3A_445 = vector.extract %slice3A_444[0] : f32 from vector<1xf32>
      %broadcast_in_dim3A_446 = vector.broadcast %squeeze3A_445 : f32 to vector<16xf32>
      %add3A_447 = arith.constant 256 : i32
      %add3A_448 = arith.addi %add3A_447, %mul3A_35 : i32
      %add3A_449 = arith.constant 1 : i32
      %add3A_450 = arith.addi %add3A_448, %add3A_449 : i32
      %mul3A_451 = arith.constant 16 : i32
      %mul3A_452 = arith.muli %add3A_450, %mul3A_451 : i32
      %swap3A_453 = arith.index_cast %mul3A_452 : i32 to index
      %swap3A_454 = tpu.vector_load %arg15[%swap3A_453] {strides = array<i32>} : memref<14336xf32, #tpu.memory_space<vmem>>, vector<16xf32>,
      tpu.vector_store %arg15[%swap3A_453], %broadcast_in_dim3A_446 {strides = array<i32>} : memref<14336xf32, #tpu.memory_space<vmem>>, vector<16xf32>,
      %slice3A_455 = vector.extract_strided_slice %sub3A_70 {offsets = [2], sizes = [1], strides = [1]} : vector<16xf32> to vector<1xf32>
      %squeeze3A_456 = vector.extract %slice3A_455[0] : f32 from vector<1xf32>
      %broadcast_in_dim3A_457 = vector.broadcast %squeeze3A_456 : f32 to vector<16xf32>
      %add3A_458 = arith.constant 256 : i32
      %add3A_459 = arith.addi %add3A_458, %mul3A_35 : i32
      %add3A_460 = arith.constant 2 : i32
      %add3A_461 = arith.addi %add3A_459, %add3A_460 : i32
      %mul3A_462 = arith.constant 16 : i32
      %mul3A_463 = arith.muli %add3A_461, %mul3A_462 : i32
      %swap3A_464 = arith.index_cast %mul3A_463 : i32 to index
      %swap3A_465 = tpu.vector_load %arg15[%swap3A_464] {strides = array<i32>} : memref<14336xf32, #tpu.memory_space<vmem>>, vector<16xf32>,
      tpu.vector_store %arg15[%swap3A_464], %broadcast_in_dim3A_457 {strides = array<i32>} : memref<14336xf32, #tpu.memory_space<vmem>>, vector<16xf32>,
      %slice3A_466 = vector.extract_strided_slice %sub3A_70 {offsets = [3], sizes = [1], strides = [1]} : vector<16xf32> to vector<1xf32>
      %squeeze3A_467 = vector.extract %slice3A_466[0] : f32 from vector<1xf32>
      %broadcast_in_dim3A_468 = vector.broadcast %squeeze3A_467 : f32 to vector<16xf32>
      %add3A_469 = arith.constant 256 : i32
      %add3A_470 = arith.addi %add3A_469, %mul3A_35 : i32
      %add3A_471 = arith.constant 3 : i32
      %add3A_472 = arith.addi %add3A_470, %add3A_471 : i32
      %mul3A_473 = arith.constant 16 : i32
      %mul3A_474 = arith.muli %add3A_472, %mul3A_473 : i32
      %swap3A_475 = arith.index_cast %mul3A_474 : i32 to index
      %swap3A_476 = tpu.vector_load %arg15[%swap3A_475] {strides = array<i32>} : memref<14336xf32, #tpu.memory_space<vmem>>, vector<16xf32>,
      tpu.vector_store %arg15[%swap3A_475], %broadcast_in_dim3A_468 {strides = array<i32>} : memref<14336xf32, #tpu.memory_space<vmem>>, vector<16xf32>,
      %slice3A_477 = vector.extract_strided_slice %sub3A_70 {offsets = [4], sizes = [1], strides = [1]} : vector<16xf32> to vector<1xf32>
      %squeeze3A_478 = vector.extract %slice3A_477[0] : f32 from vector<1xf32>
      %broadcast_in_dim3A_479 = vector.broadcast %squeeze3A_478 : f32 to vector<16xf32>
      %add3A_480 = arith.constant 256 : i32
      %add3A_481 = arith.addi %add3A_480, %mul3A_35 : i32
      %add3A_482 = arith.constant 4 : i32
      %add3A_483 = arith.addi %add3A_481, %add3A_482 : i32
      %mul3A_484 = arith.constant 16 : i32
      %mul3A_485 = arith.muli %add3A_483, %mul3A_484 : i32
      %swap3A_486 = arith.index_cast %mul3A_485 : i32 to index
      %swap3A_487 = tpu.vector_load %arg15[%swap3A_486] {strides = array<i32>} : memref<14336xf32, #tpu.memory_space<vmem>>, vector<16xf32>,
      tpu.vector_store %arg15[%swap3A_486], %broadcast_in_dim3A_479 {strides = array<i32>} : memref<14336xf32, #tpu.memory_space<vmem>>, vector<16xf32>,
      %slice3A_488 = vector.extract_strided_slice %sub3A_70 {offsets = [5], sizes = [1], strides = [1]} : vector<16xf32> to vector<1xf32>
      %squeeze3A_489 = vector.extract %slice3A_488[0] : f32 from vector<1xf32>
      %broadcast_in_dim3A_490 = vector.broadcast %squeeze3A_489 : f32 to vector<16xf32>
      %add3A_491 = arith.constant 256 : i32
      %add3A_492 = arith.addi %add3A_491, %mul3A_35 : i32
      %add3A_493 = arith.constant 5 : i32
      %add3A_494 = arith.addi %add3A_492, %add3A_493 : i32
      %mul3A_495 = arith.constant 16 : i32
      %mul3A_496 = arith.muli %add3A_494, %mul3A_495 : i32
      %swap3A_497 = arith.index_cast %mul3A_496 : i32 to index
      %swap3A_498 = tpu.vector_load %arg15[%swap3A_497] {strides = array<i32>} : memref<14336xf32, #tpu.memory_space<vmem>>, vector<16xf32>,
      tpu.vector_store %arg15[%swap3A_497], %broadcast_in_dim3A_490 {strides = array<i32>} : memref<14336xf32, #tpu.memory_space<vmem>>, vector<16xf32>,
      %slice3A_499 = vector.extract_strided_slice %sub3A_70 {offsets = [6], sizes = [1], strides = [1]} : vector<16xf32> to vector<1xf32>
      %squeeze3A_500 = vector.extract %slice3A_499[0] : f32 from vector<1xf32>
      %broadcast_in_dim3A_501 = vector.broadcast %squeeze3A_500 : f32 to vector<16xf32>
      %add3A_502 = arith.constant 256 : i32
      %add3A_503 = arith.addi %add3A_502, %mul3A_35 : i32
      %add3A_504 = arith.constant 6 : i32
      %add3A_505 = arith.addi %add3A_503, %add3A_504 : i32
      %mul3A_506 = arith.constant 16 : i32
      %mul3A_507 = arith.muli %add3A_505, %mul3A_506 : i32
      %swap3A_508 = arith.index_cast %mul3A_507 : i32 to index
      %swap3A_509 = tpu.vector_load %arg15[%swap3A_508] {strides = array<i32>} : memref<14336xf32, #tpu.memory_space<vmem>>, vector<16xf32>,
      tpu.vector_store %arg15[%swap3A_508], %broadcast_in_dim3A_501 {strides = array<i32>} : memref<14336xf32, #tpu.memory_space<vmem>>, vector<16xf32>,
      %slice3A_510 = vector.extract_strided_slice %sub3A_70 {offsets = [7], sizes = [1], strides = [1]} : vector<16xf32> to vector<1xf32>
      %squeeze3A_511 = vector.extract %slice3A_510[0] : f32 from vector<1xf32>
      %broadcast_in_dim3A_512 = vector.broadcast %squeeze3A_511 : f32 to vector<16xf32>
      %add3A_513 = arith.constant 256 : i32
      %add3A_514 = arith.addi %add3A_513, %mul3A_35 : i32
      %add3A_515 = arith.constant 7 : i32
      %add3A_516 = arith.addi %add3A_514, %add3A_515 : i32
      %mul3A_517 = arith.constant 16 : i32
      %mul3A_518 = arith.muli %add3A_516, %mul3A_517 : i32
      %swap3A_519 = arith.index_cast %mul3A_518 : i32 to index
      %swap3A_520 = tpu.vector_load %arg15[%swap3A_519] {strides = array<i32>} : memref<14336xf32, #tpu.memory_space<vmem>>, vector<16xf32>,
      tpu.vector_store %arg15[%swap3A_519], %broadcast_in_dim3A_512 {strides = array<i32>} : memref<14336xf32, #tpu.memory_space<vmem>>, vector<16xf32>,
      %slice3A_521 = vector.extract_strided_slice %sub3A_70 {offsets = [8], sizes = [1], strides = [1]} : vector<16xf32> to vector<1xf32>
      %squeeze3A_522 = vector.extract %slice3A_521[0] : f32 from vector<1xf32>
      %broadcast_in_dim3A_523 = vector.broadcast %squeeze3A_522 : f32 to vector<16xf32>
      %add3A_524 = arith.constant 256 : i32
      %add3A_525 = arith.addi %add3A_524, %mul3A_35 : i32
      %add3A_526 = arith.constant 8 : i32
      %add3A_527 = arith.addi %add3A_525, %add3A_526 : i32
      %mul3A_528 = arith.constant 16 : i32
      %mul3A_529 = arith.muli %add3A_527, %mul3A_528 : i32
      %swap3A_530 = arith.index_cast %mul3A_529 : i32 to index
      %swap3A_531 = tpu.vector_load %arg15[%swap3A_530] {strides = array<i32>} : memref<14336xf32, #tpu.memory_space<vmem>>, vector<16xf32>,
      tpu.vector_store %arg15[%swap3A_530], %broadcast_in_dim3A_523 {strides = array<i32>} : memref<14336xf32, #tpu.memory_space<vmem>>, vector<16xf32>,
      %slice3A_532 = vector.extract_strided_slice %sub3A_70 {offsets = [9], sizes = [1], strides = [1]} : vector<16xf32> to vector<1xf32>
      %squeeze3A_533 = vector.extract %slice3A_532[0] : f32 from vector<1xf32>
      %broadcast_in_dim3A_534 = vector.broadcast %squeeze3A_533 : f32 to vector<16xf32>
      %add3A_535 = arith.constant 256 : i32
      %add3A_536 = arith.addi %add3A_535, %mul3A_35 : i32
      %add3A_537 = arith.constant 9 : i32
      %add3A_538 = arith.addi %add3A_536, %add3A_537 : i32
      %mul3A_539 = arith.constant 16 : i32
      %mul3A_540 = arith.muli %add3A_538, %mul3A_539 : i32
      %swap3A_541 = arith.index_cast %mul3A_540 : i32 to index
      %swap3A_542 = tpu.vector_load %arg15[%swap3A_541] {strides = array<i32>} : memref<14336xf32, #tpu.memory_space<vmem>>, vector<16xf32>,
      tpu.vector_store %arg15[%swap3A_541], %broadcast_in_dim3A_534 {strides = array<i32>} : memref<14336xf32, #tpu.memory_space<vmem>>, vector<16xf32>,
      %slice3A_543 = vector.extract_strided_slice %sub3A_70 {offsets = [10], sizes = [1], strides = [1]} : vector<16xf32> to vector<1xf32>
      %squeeze3A_544 = vector.extract %slice3A_543[0] : f32 from vector<1xf32>
      %broadcast_in_dim3A_545 = vector.broadcast %squeeze3A_544 : f32 to vector<16xf32>
      %add3A_546 = arith.constant 256 : i32
      %add3A_547 = arith.addi %add3A_546, %mul3A_35 : i32
      %add3A_548 = arith.constant 10 : i32
      %add3A_549 = arith.addi %add3A_547, %add3A_548 : i32
      %mul3A_550 = arith.constant 16 : i32
      %mul3A_551 = arith.muli %add3A_549, %mul3A_550 : i32
      %swap3A_552 = arith.index_cast %mul3A_551 : i32 to index
      %swap3A_553 = tpu.vector_load %arg15[%swap3A_552] {strides = array<i32>} : memref<14336xf32, #tpu.memory_space<vmem>>, vector<16xf32>,
      tpu.vector_store %arg15[%swap3A_552], %broadcast_in_dim3A_545 {strides = array<i32>} : memref<14336xf32, #tpu.memory_space<vmem>>, vector<16xf32>,
      %slice3A_554 = vector.extract_strided_slice %sub3A_70 {offsets = [11], sizes = [1], strides = [1]} : vector<16xf32> to vector<1xf32>
      %squeeze3A_555 = vector.extract %slice3A_554[0] : f32 from vector<1xf32>
      %broadcast_in_dim3A_556 = vector.broadcast %squeeze3A_555 : f32 to vector<16xf32>
      %add3A_557 = arith.constant 256 : i32
      %add3A_558 = arith.addi %add3A_557, %mul3A_35 : i32
      %add3A_559 = arith.constant 11 : i32
      %add3A_560 = arith.addi %add3A_558, %add3A_559 : i32
      %mul3A_561 = arith.constant 16 : i32
      %mul3A_562 = arith.muli %add3A_560, %mul3A_561 : i32
      %swap3A_563 = arith.index_cast %mul3A_562 : i32 to index
      %swap3A_564 = tpu.vector_load %arg15[%swap3A_563] {strides = array<i32>} : memref<14336xf32, #tpu.memory_space<vmem>>, vector<16xf32>,
      tpu.vector_store %arg15[%swap3A_563], %broadcast_in_dim3A_556 {strides = array<i32>} : memref<14336xf32, #tpu.memory_space<vmem>>, vector<16xf32>,
      %slice3A_565 = vector.extract_strided_slice %sub3A_70 {offsets = [12], sizes = [1], strides = [1]} : vector<16xf32> to vector<1xf32>
      %squeeze3A_566 = vector.extract %slice3A_565[0] : f32 from vector<1xf32>
      %broadcast_in_dim3A_567 = vector.broadcast %squeeze3A_566 : f32 to vector<16xf32>
      %add3A_568 = arith.constant 256 : i32
      %add3A_569 = arith.addi %add3A_568, %mul3A_35 : i32
      %add3A_570 = arith.constant 12 : i32
      %add3A_571 = arith.addi %add3A_569, %add3A_570 : i32
      %mul3A_572 = arith.constant 16 : i32
      %mul3A_573 = arith.muli %add3A_571, %mul3A_572 : i32
      %swap3A_574 = arith.index_cast %mul3A_573 : i32 to index
      %swap3A_575 = tpu.vector_load %arg15[%swap3A_574] {strides = array<i32>} : memref<14336xf32, #tpu.memory_space<vmem>>, vector<16xf32>,
      tpu.vector_store %arg15[%swap3A_574], %broadcast_in_dim3A_567 {strides = array<i32>} : memref<14336xf32, #tpu.memory_space<vmem>>, vector<16xf32>,
      %slice3A_576 = vector.extract_strided_slice %sub3A_70 {offsets = [13], sizes = [1], strides = [1]} : vector<16xf32> to vector<1xf32>
      %squeeze3A_577 = vector.extract %slice3A_576[0] : f32 from vector<1xf32>
      %broadcast_in_dim3A_578 = vector.broadcast %squeeze3A_577 : f32 to vector<16xf32>
      %add3A_579 = arith.constant 256 : i32
      %add3A_580 = arith.addi %add3A_579, %mul3A_35 : i32
      %add3A_581 = arith.constant 13 : i32
      %add3A_582 = arith.addi %add3A_580, %add3A_581 : i32
      %mul3A_583 = arith.constant 16 : i32
      %mul3A_584 = arith.muli %add3A_582, %mul3A_583 : i32
      %swap3A_585 = arith.index_cast %mul3A_584 : i32 to index
      %swap3A_586 = tpu.vector_load %arg15[%swap3A_585] {strides = array<i32>} : memref<14336xf32, #tpu.memory_space<vmem>>, vector<16xf32>,
      tpu.vector_store %arg15[%swap3A_585], %broadcast_in_dim3A_578 {strides = array<i32>} : memref<14336xf32, #tpu.memory_space<vmem>>, vector<16xf32>,
      %slice3A_587 = vector.extract_strided_slice %sub3A_70 {offsets = [14], sizes = [1], strides = [1]} : vector<16xf32> to vector<1xf32>
      %squeeze3A_588 = vector.extract %slice3A_587[0] : f32 from vector<1xf32>
      %broadcast_in_dim3A_589 = vector.broadcast %squeeze3A_588 : f32 to vector<16xf32>
      %add3A_590 = arith.constant 256 : i32
      %add3A_591 = arith.addi %add3A_590, %mul3A_35 : i32
      %add3A_592 = arith.constant 14 : i32
      %add3A_593 = arith.addi %add3A_591, %add3A_592 : i32
      %mul3A_594 = arith.constant 16 : i32
      %mul3A_595 = arith.muli %add3A_593, %mul3A_594 : i32
      %swap3A_596 = arith.index_cast %mul3A_595 : i32 to index
      %swap3A_597 = tpu.vector_load %arg15[%swap3A_596] {strides = array<i32>} : memref<14336xf32, #tpu.memory_space<vmem>>, vector<16xf32>,
      tpu.vector_store %arg15[%swap3A_596], %broadcast_in_dim3A_589 {strides = array<i32>} : memref<14336xf32, #tpu.memory_space<vmem>>, vector<16xf32>,
      %slice3A_598 = vector.extract_strided_slice %sub3A_70 {offsets = [15], sizes = [1], strides = [1]} : vector<16xf32> to vector<1xf32>
      %squeeze3A_599 = vector.extract %slice3A_598[0] : f32 from vector<1xf32>
      %broadcast_in_dim3A_600 = vector.broadcast %squeeze3A_599 : f32 to vector<16xf32>
      %add3A_601 = arith.constant 256 : i32
      %add3A_602 = arith.addi %add3A_601, %mul3A_35 : i32
      %add3A_603 = arith.constant 15 : i32
      %add3A_604 = arith.addi %add3A_602, %add3A_603 : i32
      %mul3A_605 = arith.constant 16 : i32
      %mul3A_606 = arith.muli %add3A_604, %mul3A_605 : i32
      %swap3A_607 = arith.index_cast %mul3A_606 : i32 to index
      %swap3A_608 = tpu.vector_load %arg15[%swap3A_607] {strides = array<i32>} : memref<14336xf32, #tpu.memory_space<vmem>>, vector<16xf32>,
      tpu.vector_store %arg15[%swap3A_607], %broadcast_in_dim3A_600 {strides = array<i32>} : memref<14336xf32, #tpu.memory_space<vmem>>, vector<16xf32>,
      %slice3A_609 = vector.extract_strided_slice %add3A_74 {offsets = [0], sizes = [1], strides = [1]} : vector<16xf32> to vector<1xf32>
      %squeeze3A_610 = vector.extract %slice3A_609[0] : f32 from vector<1xf32>
      %broadcast_in_dim3A_611 = vector.broadcast %squeeze3A_610 : f32 to vector<16xf32>
      %add3A_612 = arith.constant 384 : i32
      %add3A_613 = arith.addi %add3A_612, %mul3A_35 : i32
      %add3A_614 = arith.constant 0 : i32
      %add3A_615 = arith.addi %add3A_613, %add3A_614 : i32
      %mul3A_616 = arith.constant 16 : i32
      %mul3A_617 = arith.muli %add3A_615, %mul3A_616 : i32
      %swap3A_618 = arith.index_cast %mul3A_617 : i32 to index
      %swap3A_619 = tpu.vector_load %arg15[%swap3A_618] {strides = array<i32>} : memref<14336xf32, #tpu.memory_space<vmem>>, vector<16xf32>,
      tpu.vector_store %arg15[%swap3A_618], %broadcast_in_dim3A_611 {strides = array<i32>} : memref<14336xf32, #tpu.memory_space<vmem>>, vector<16xf32>,
      %slice3A_620 = vector.extract_strided_slice %add3A_74 {offsets = [1], sizes = [1], strides = [1]} : vector<16xf32> to vector<1xf32>
      %squeeze3A_621 = vector.extract %slice3A_620[0] : f32 from vector<1xf32>
      %broadcast_in_dim3A_622 = vector.broadcast %squeeze3A_621 : f32 to vector<16xf32>
      %add3A_623 = arith.constant 384 : i32
      %add3A_624 = arith.addi %add3A_623, %mul3A_35 : i32
      %add3A_625 = arith.constant 1 : i32
      %add3A_626 = arith.addi %add3A_624, %add3A_625 : i32
      %mul3A_627 = arith.constant 16 : i32
      %mul3A_628 = arith.muli %add3A_626, %mul3A_627 : i32
      %swap3A_629 = arith.index_cast %mul3A_628 : i32 to index
      %swap3A_630 = tpu.vector_load %arg15[%swap3A_629] {strides = array<i32>} : memref<14336xf32, #tpu.memory_space<vmem>>, vector<16xf32>,
      tpu.vector_store %arg15[%swap3A_629], %broadcast_in_dim3A_622 {strides = array<i32>} : memref<14336xf32, #tpu.memory_space<vmem>>, vector<16xf32>,
      %slice3A_631 = vector.extract_strided_slice %add3A_74 {offsets = [2], sizes = [1], strides = [1]} : vector<16xf32> to vector<1xf32>
      %squeeze3A_632 = vector.extract %slice3A_631[0] : f32 from vector<1xf32>
      %broadcast_in_dim3A_633 = vector.broadcast %squeeze3A_632 : f32 to vector<16xf32>
      %add3A_634 = arith.constant 384 : i32
      %add3A_635 = arith.addi %add3A_634, %mul3A_35 : i32
      %add3A_636 = arith.constant 2 : i32
      %add3A_637 = arith.addi %add3A_635, %add3A_636 : i32
      %mul3A_638 = arith.constant 16 : i32
      %mul3A_639 = arith.muli %add3A_637, %mul3A_638 : i32
      %swap3A_640 = arith.index_cast %mul3A_639 : i32 to index
      %swap3A_641 = tpu.vector_load %arg15[%swap3A_640] {strides = array<i32>} : memref<14336xf32, #tpu.memory_space<vmem>>, vector<16xf32>,
      tpu.vector_store %arg15[%swap3A_640], %broadcast_in_dim3A_633 {strides = array<i32>} : memref<14336xf32, #tpu.memory_space<vmem>>, vector<16xf32>,
      %slice3A_642 = vector.extract_strided_slice %add3A_74 {offsets = [3], sizes = [1], strides = [1]} : vector<16xf32> to vector<1xf32>
      %squeeze3A_643 = vector.extract %slice3A_642[0] : f32 from vector<1xf32>
      %broadcast_in_dim3A_644 = vector.broadcast %squeeze3A_643 : f32 to vector<16xf32>
      %add3A_645 = arith.constant 384 : i32
      %add3A_646 = arith.addi %add3A_645, %mul3A_35 : i32
      %add3A_647 = arith.constant 3 : i32
      %add3A_648 = arith.addi %add3A_646, %add3A_647 : i32
      %mul3A_649 = arith.constant 16 : i32
      %mul3A_650 = arith.muli %add3A_648, %mul3A_649 : i32
      %swap3A_651 = arith.index_cast %mul3A_650 : i32 to index
      %swap3A_652 = tpu.vector_load %arg15[%swap3A_651] {strides = array<i32>} : memref<14336xf32, #tpu.memory_space<vmem>>, vector<16xf32>,
      tpu.vector_store %arg15[%swap3A_651], %broadcast_in_dim3A_644 {strides = array<i32>} : memref<14336xf32, #tpu.memory_space<vmem>>, vector<16xf32>,
      %slice3A_653 = vector.extract_strided_slice %add3A_74 {offsets = [4], sizes = [1], strides = [1]} : vector<16xf32> to vector<1xf32>
      %squeeze3A_654 = vector.extract %slice3A_653[0] : f32 from vector<1xf32>
      %broadcast_in_dim3A_655 = vector.broadcast %squeeze3A_654 : f32 to vector<16xf32>
      %add3A_656 = arith.constant 384 : i32
      %add3A_657 = arith.addi %add3A_656, %mul3A_35 : i32
      %add3A_658 = arith.constant 4 : i32
      %add3A_659 = arith.addi %add3A_657, %add3A_658 : i32
      %mul3A_660 = arith.constant 16 : i32
      %mul3A_661 = arith.muli %add3A_659, %mul3A_660 : i32
      %swap3A_662 = arith.index_cast %mul3A_661 : i32 to index
      %swap3A_663 = tpu.vector_load %arg15[%swap3A_662] {strides = array<i32>} : memref<14336xf32, #tpu.memory_space<vmem>>, vector<16xf32>,
      tpu.vector_store %arg15[%swap3A_662], %broadcast_in_dim3A_655 {strides = array<i32>} : memref<14336xf32, #tpu.memory_space<vmem>>, vector<16xf32>,
      %slice3A_664 = vector.extract_strided_slice %add3A_74 {offsets = [5], sizes = [1], strides = [1]} : vector<16xf32> to vector<1xf32>
      %squeeze3A_665 = vector.extract %slice3A_664[0] : f32 from vector<1xf32>
      %broadcast_in_dim3A_666 = vector.broadcast %squeeze3A_665 : f32 to vector<16xf32>
      %add3A_667 = arith.constant 384 : i32
      %add3A_668 = arith.addi %add3A_667, %mul3A_35 : i32
      %add3A_669 = arith.constant 5 : i32
      %add3A_670 = arith.addi %add3A_668, %add3A_669 : i32
      %mul3A_671 = arith.constant 16 : i32
      %mul3A_672 = arith.muli %add3A_670, %mul3A_671 : i32
      %swap3A_673 = arith.index_cast %mul3A_672 : i32 to index
      %swap3A_674 = tpu.vector_load %arg15[%swap3A_673] {strides = array<i32>} : memref<14336xf32, #tpu.memory_space<vmem>>, vector<16xf32>,
      tpu.vector_store %arg15[%swap3A_673], %broadcast_in_dim3A_666 {strides = array<i32>} : memref<14336xf32, #tpu.memory_space<vmem>>, vector<16xf32>,
      %slice3A_675 = vector.extract_strided_slice %add3A_74 {offsets = [6], sizes = [1], strides = [1]} : vector<16xf32> to vector<1xf32>
      %squeeze3A_676 = vector.extract %slice3A_675[0] : f32 from vector<1xf32>
      %broadcast_in_dim3A_677 = vector.broadcast %squeeze3A_676 : f32 to vector<16xf32>
      %add3A_678 = arith.constant 384 : i32
      %add3A_679 = arith.addi %add3A_678, %mul3A_35 : i32
      %add3A_680 = arith.constant 6 : i32
      %add3A_681 = arith.addi %add3A_679, %add3A_680 : i32
      %mul3A_682 = arith.constant 16 : i32
      %mul3A_683 = arith.muli %add3A_681, %mul3A_682 : i32
      %swap3A_684 = arith.index_cast %mul3A_683 : i32 to index
      %swap3A_685 = tpu.vector_load %arg15[%swap3A_684] {strides = array<i32>} : memref<14336xf32, #tpu.memory_space<vmem>>, vector<16xf32>,
      tpu.vector_store %arg15[%swap3A_684], %broadcast_in_dim3A_677 {strides = array<i32>} : memref<14336xf32, #tpu.memory_space<vmem>>, vector<16xf32>,
      %slice3A_686 = vector.extract_strided_slice %add3A_74 {offsets = [7], sizes = [1], strides = [1]} : vector<16xf32> to vector<1xf32>
      %squeeze3A_687 = vector.extract %slice3A_686[0] : f32 from vector<1xf32>
      %broadcast_in_dim3A_688 = vector.broadcast %squeeze3A_687 : f32 to vector<16xf32>
      %add3A_689 = arith.constant 384 : i32
      %add3A_690 = arith.addi %add3A_689, %mul3A_35 : i32
      %add3A_691 = arith.constant 7 : i32
      %add3A_692 = arith.addi %add3A_690, %add3A_691 : i32
      %mul3A_693 = arith.constant 16 : i32
      %mul3A_694 = arith.muli %add3A_692, %mul3A_693 : i32
      %swap3A_695 = arith.index_cast %mul3A_694 : i32 to index
      %swap3A_696 = tpu.vector_load %arg15[%swap3A_695] {strides = array<i32>} : memref<14336xf32, #tpu.memory_space<vmem>>, vector<16xf32>,
      tpu.vector_store %arg15[%swap3A_695], %broadcast_in_dim3A_688 {strides = array<i32>} : memref<14336xf32, #tpu.memory_space<vmem>>, vector<16xf32>,
      %slice3A_697 = vector.extract_strided_slice %add3A_74 {offsets = [8], sizes = [1], strides = [1]} : vector<16xf32> to vector<1xf32>
      %squeeze3A_698 = vector.extract %slice3A_697[0] : f32 from vector<1xf32>
      %broadcast_in_dim3A_699 = vector.broadcast %squeeze3A_698 : f32 to vector<16xf32>
      %add3A_700 = arith.constant 384 : i32
      %add3A_701 = arith.addi %add3A_700, %mul3A_35 : i32
      %add3A_702 = arith.constant 8 : i32
      %add3A_703 = arith.addi %add3A_701, %add3A_702 : i32
      %mul3A_704 = arith.constant 16 : i32
      %mul3A_705 = arith.muli %add3A_703, %mul3A_704 : i32
      %swap3A_706 = arith.index_cast %mul3A_705 : i32 to index
      %swap3A_707 = tpu.vector_load %arg15[%swap3A_706] {strides = array<i32>} : memref<14336xf32, #tpu.memory_space<vmem>>, vector<16xf32>,
      tpu.vector_store %arg15[%swap3A_706], %broadcast_in_dim3A_699 {strides = array<i32>} : memref<14336xf32, #tpu.memory_space<vmem>>, vector<16xf32>,
      %slice3A_708 = vector.extract_strided_slice %add3A_74 {offsets = [9], sizes = [1], strides = [1]} : vector<16xf32> to vector<1xf32>
      %squeeze3A_709 = vector.extract %slice3A_708[0] : f32 from vector<1xf32>
      %broadcast_in_dim3A_710 = vector.broadcast %squeeze3A_709 : f32 to vector<16xf32>
      %add3A_711 = arith.constant 384 : i32
      %add3A_712 = arith.addi %add3A_711, %mul3A_35 : i32
      %add3A_713 = arith.constant 9 : i32
      %add3A_714 = arith.addi %add3A_712, %add3A_713 : i32
      %mul3A_715 = arith.constant 16 : i32
      %mul3A_716 = arith.muli %add3A_714, %mul3A_715 : i32
      %swap3A_717 = arith.index_cast %mul3A_716 : i32 to index
      %swap3A_718 = tpu.vector_load %arg15[%swap3A_717] {strides = array<i32>} : memref<14336xf32, #tpu.memory_space<vmem>>, vector<16xf32>,
      tpu.vector_store %arg15[%swap3A_717], %broadcast_in_dim3A_710 {strides = array<i32>} : memref<14336xf32, #tpu.memory_space<vmem>>, vector<16xf32>,
      %slice3A_719 = vector.extract_strided_slice %add3A_74 {offsets = [10], sizes = [1], strides = [1]} : vector<16xf32> to vector<1xf32>
      %squeeze3A_720 = vector.extract %slice3A_719[0] : f32 from vector<1xf32>
      %broadcast_in_dim3A_721 = vector.broadcast %squeeze3A_720 : f32 to vector<16xf32>
      %add3A_722 = arith.constant 384 : i32
      %add3A_723 = arith.addi %add3A_722, %mul3A_35 : i32
      %add3A_724 = arith.constant 10 : i32
      %add3A_725 = arith.addi %add3A_723, %add3A_724 : i32
      %mul3A_726 = arith.constant 16 : i32
      %mul3A_727 = arith.muli %add3A_725, %mul3A_726 : i32
      %swap3A_728 = arith.index_cast %mul3A_727 : i32 to index
      %swap3A_729 = tpu.vector_load %arg15[%swap3A_728] {strides = array<i32>} : memref<14336xf32, #tpu.memory_space<vmem>>, vector<16xf32>,
      tpu.vector_store %arg15[%swap3A_728], %broadcast_in_dim3A_721 {strides = array<i32>} : memref<14336xf32, #tpu.memory_space<vmem>>, vector<16xf32>,
      %slice3A_730 = vector.extract_strided_slice %add3A_74 {offsets = [11], sizes = [1], strides = [1]} : vector<16xf32> to vector<1xf32>
      %squeeze3A_731 = vector.extract %slice3A_730[0] : f32 from vector<1xf32>
      %broadcast_in_dim3A_732 = vector.broadcast %squeeze3A_731 : f32 to vector<16xf32>
      %add3A_733 = arith.constant 384 : i32
      %add3A_734 = arith.addi %add3A_733, %mul3A_35 : i32
      %add3A_735 = arith.constant 11 : i32
      %add3A_736 = arith.addi %add3A_734, %add3A_735 : i32
      %mul3A_737 = arith.constant 16 : i32
      %mul3A_738 = arith.muli %add3A_736, %mul3A_737 : i32
      %swap3A_739 = arith.index_cast %mul3A_738 : i32 to index
      %swap3A_740 = tpu.vector_load %arg15[%swap3A_739] {strides = array<i32>} : memref<14336xf32, #tpu.memory_space<vmem>>, vector<16xf32>,
      tpu.vector_store %arg15[%swap3A_739], %broadcast_in_dim3A_732 {strides = array<i32>} : memref<14336xf32, #tpu.memory_space<vmem>>, vector<16xf32>,
      %slice3A_741 = vector.extract_strided_slice %add3A_74 {offsets = [12], sizes = [1], strides = [1]} : vector<16xf32> to vector<1xf32>
      %squeeze3A_742 = vector.extract %slice3A_741[0] : f32 from vector<1xf32>
      %broadcast_in_dim3A_743 = vector.broadcast %squeeze3A_742 : f32 to vector<16xf32>
      %add3A_744 = arith.constant 384 : i32
      %add3A_745 = arith.addi %add3A_744, %mul3A_35 : i32
      %add3A_746 = arith.constant 12 : i32
      %add3A_747 = arith.addi %add3A_745, %add3A_746 : i32
      %mul3A_748 = arith.constant 16 : i32
      %mul3A_749 = arith.muli %add3A_747, %mul3A_748 : i32
      %swap3A_750 = arith.index_cast %mul3A_749 : i32 to index
      %swap3A_751 = tpu.vector_load %arg15[%swap3A_750] {strides = array<i32>} : memref<14336xf32, #tpu.memory_space<vmem>>, vector<16xf32>,
      tpu.vector_store %arg15[%swap3A_750], %broadcast_in_dim3A_743 {strides = array<i32>} : memref<14336xf32, #tpu.memory_space<vmem>>, vector<16xf32>,
      %slice3A_752 = vector.extract_strided_slice %add3A_74 {offsets = [13], sizes = [1], strides = [1]} : vector<16xf32> to vector<1xf32>
      %squeeze3A_753 = vector.extract %slice3A_752[0] : f32 from vector<1xf32>
      %broadcast_in_dim3A_754 = vector.broadcast %squeeze3A_753 : f32 to vector<16xf32>
      %add3A_755 = arith.constant 384 : i32
      %add3A_756 = arith.addi %add3A_755, %mul3A_35 : i32
      %add3A_757 = arith.constant 13 : i32
      %add3A_758 = arith.addi %add3A_756, %add3A_757 : i32
      %mul3A_759 = arith.constant 16 : i32
      %mul3A_760 = arith.muli %add3A_758, %mul3A_759 : i32
      %swap3A_761 = arith.index_cast %mul3A_760 : i32 to index
      %swap3A_762 = tpu.vector_load %arg15[%swap3A_761] {strides = array<i32>} : memref<14336xf32, #tpu.memory_space<vmem>>, vector<16xf32>,
      tpu.vector_store %arg15[%swap3A_761], %broadcast_in_dim3A_754 {strides = array<i32>} : memref<14336xf32, #tpu.memory_space<vmem>>, vector<16xf32>,
      %slice3A_763 = vector.extract_strided_slice %add3A_74 {offsets = [14], sizes = [1], strides = [1]} : vector<16xf32> to vector<1xf32>
      %squeeze3A_764 = vector.extract %slice3A_763[0] : f32 from vector<1xf32>
      %broadcast_in_dim3A_765 = vector.broadcast %squeeze3A_764 : f32 to vector<16xf32>
      %add3A_766 = arith.constant 384 : i32
      %add3A_767 = arith.addi %add3A_766, %mul3A_35 : i32
      %add3A_768 = arith.constant 14 : i32
      %add3A_769 = arith.addi %add3A_767, %add3A_768 : i32
      %mul3A_770 = arith.constant 16 : i32
      %mul3A_771 = arith.muli %add3A_769, %mul3A_770 : i32
      %swap3A_772 = arith.index_cast %mul3A_771 : i32 to index
      %swap3A_773 = tpu.vector_load %arg15[%swap3A_772] {strides = array<i32>} : memref<14336xf32, #tpu.memory_space<vmem>>, vector<16xf32>,
      tpu.vector_store %arg15[%swap3A_772], %broadcast_in_dim3A_765 {strides = array<i32>} : memref<14336xf32, #tpu.memory_space<vmem>>, vector<16xf32>,
      %slice3A_774 = vector.extract_strided_slice %add3A_74 {offsets = [15], sizes = [1], strides = [1]} : vector<16xf32> to vector<1xf32>
      %squeeze3A_775 = vector.extract %slice3A_774[0] : f32 from vector<1xf32>
      %broadcast_in_dim3A_776 = vector.broadcast %squeeze3A_775 : f32 to vector<16xf32>
      %add3A_777 = arith.constant 384 : i32
      %add3A_778 = arith.addi %add3A_777, %mul3A_35 : i32
      %add3A_779 = arith.constant 15 : i32
      %add3A_780 = arith.addi %add3A_778, %add3A_779 : i32
      %mul3A_781 = arith.constant 16 : i32
      %mul3A_782 = arith.muli %add3A_780, %mul3A_781 : i32
      %swap3A_783 = arith.index_cast %mul3A_782 : i32 to index
      %swap3A_784 = tpu.vector_load %arg15[%swap3A_783] {strides = array<i32>} : memref<14336xf32, #tpu.memory_space<vmem>>, vector<16xf32>,
      tpu.vector_store %arg15[%swap3A_783], %broadcast_in_dim3A_776 {strides = array<i32>} : memref<14336xf32, #tpu.memory_space<vmem>>, vector<16xf32>,
      %slice3A_785 = vector.extract_strided_slice %add3A_78 {offsets = [0], sizes = [1], strides = [1]} : vector<16xf32> to vector<1xf32>
      %squeeze3A_786 = vector.extract %slice3A_785[0] : f32 from vector<1xf32>
      %broadcast_in_dim3A_787 = vector.broadcast %squeeze3A_786 : f32 to vector<16xf32>
      %add3A_788 = arith.constant 512 : i32
      %add3A_789 = arith.addi %add3A_788, %mul3A_35 : i32
      %add3A_790 = arith.constant 0 : i32
      %add3A_791 = arith.addi %add3A_789, %add3A_790 : i32
      %mul3A_792 = arith.constant 16 : i32
      %mul3A_793 = arith.muli %add3A_791, %mul3A_792 : i32
      %swap3A_794 = arith.index_cast %mul3A_793 : i32 to index
      %swap3A_795 = tpu.vector_load %arg15[%swap3A_794] {strides = array<i32>} : memref<14336xf32, #tpu.memory_space<vmem>>, vector<16xf32>,
      tpu.vector_store %arg15[%swap3A_794], %broadcast_in_dim3A_787 {strides = array<i32>} : memref<14336xf32, #tpu.memory_space<vmem>>, vector<16xf32>,
      %slice3A_796 = vector.extract_strided_slice %add3A_78 {offsets = [1], sizes = [1], strides = [1]} : vector<16xf32> to vector<1xf32>
      %squeeze3A_797 = vector.extract %slice3A_796[0] : f32 from vector<1xf32>
      %broadcast_in_dim3A_798 = vector.broadcast %squeeze3A_797 : f32 to vector<16xf32>
      %add3A_799 = arith.constant 512 : i32
      %add3A_800 = arith.addi %add3A_799, %mul3A_35 : i32
      %add3A_801 = arith.constant 1 : i32
      %add3A_802 = arith.addi %add3A_800, %add3A_801 : i32
      %mul3A_803 = arith.constant 16 : i32
      %mul3A_804 = arith.muli %add3A_802, %mul3A_803 : i32
      %swap3A_805 = arith.index_cast %mul3A_804 : i32 to index
      %swap3A_806 = tpu.vector_load %arg15[%swap3A_805] {strides = array<i32>} : memref<14336xf32, #tpu.memory_space<vmem>>, vector<16xf32>,
      tpu.vector_store %arg15[%swap3A_805], %broadcast_in_dim3A_798 {strides = array<i32>} : memref<14336xf32, #tpu.memory_space<vmem>>, vector<16xf32>,
      %slice3A_807 = vector.extract_strided_slice %add3A_78 {offsets = [2], sizes = [1], strides = [1]} : vector<16xf32> to vector<1xf32>
      %squeeze3A_808 = vector.extract %slice3A_807[0] : f32 from vector<1xf32>
      %broadcast_in_dim3A_809 = vector.broadcast %squeeze3A_808 : f32 to vector<16xf32>
      %add3A_810 = arith.constant 512 : i32
      %add3A_811 = arith.addi %add3A_810, %mul3A_35 : i32
      %add3A_812 = arith.constant 2 : i32
      %add3A_813 = arith.addi %add3A_811, %add3A_812 : i32
      %mul3A_814 = arith.constant 16 : i32
      %mul3A_815 = arith.muli %add3A_813, %mul3A_814 : i32
      %swap3A_816 = arith.index_cast %mul3A_815 : i32 to index
      %swap3A_817 = tpu.vector_load %arg15[%swap3A_816] {strides = array<i32>} : memref<14336xf32, #tpu.memory_space<vmem>>, vector<16xf32>,
      tpu.vector_store %arg15[%swap3A_816], %broadcast_in_dim3A_809 {strides = array<i32>} : memref<14336xf32, #tpu.memory_space<vmem>>, vector<16xf32>,
      %slice3A_818 = vector.extract_strided_slice %add3A_78 {offsets = [3], sizes = [1], strides = [1]} : vector<16xf32> to vector<1xf32>
      %squeeze3A_819 = vector.extract %slice3A_818[0] : f32 from vector<1xf32>
      %broadcast_in_dim3A_820 = vector.broadcast %squeeze3A_819 : f32 to vector<16xf32>
      %add3A_821 = arith.constant 512 : i32
      %add3A_822 = arith.addi %add3A_821, %mul3A_35 : i32
      %add3A_823 = arith.constant 3 : i32
      %add3A_824 = arith.addi %add3A_822, %add3A_823 : i32
      %mul3A_825 = arith.constant 16 : i32
      %mul3A_826 = arith.muli %add3A_824, %mul3A_825 : i32
      %swap3A_827 = arith.index_cast %mul3A_826 : i32 to index
      %swap3A_828 = tpu.vector_load %arg15[%swap3A_827] {strides = array<i32>} : memref<14336xf32, #tpu.memory_space<vmem>>, vector<16xf32>,
      tpu.vector_store %arg15[%swap3A_827], %broadcast_in_dim3A_820 {strides = array<i32>} : memref<14336xf32, #tpu.memory_space<vmem>>, vector<16xf32>,
      %slice3A_829 = vector.extract_strided_slice %add3A_78 {offsets = [4], sizes = [1], strides = [1]} : vector<16xf32> to vector<1xf32>
      %squeeze3A_830 = vector.extract %slice3A_829[0] : f32 from vector<1xf32>
      %broadcast_in_dim3A_831 = vector.broadcast %squeeze3A_830 : f32 to vector<16xf32>
      %add3A_832 = arith.constant 512 : i32
      %add3A_833 = arith.addi %add3A_832, %mul3A_35 : i32
      %add3A_834 = arith.constant 4 : i32
      %add3A_835 = arith.addi %add3A_833, %add3A_834 : i32
      %mul3A_836 = arith.constant 16 : i32
      %mul3A_837 = arith.muli %add3A_835, %mul3A_836 : i32
      %swap3A_838 = arith.index_cast %mul3A_837 : i32 to index
      %swap3A_839 = tpu.vector_load %arg15[%swap3A_838] {strides = array<i32>} : memref<14336xf32, #tpu.memory_space<vmem>>, vector<16xf32>,
      tpu.vector_store %arg15[%swap3A_838], %broadcast_in_dim3A_831 {strides = array<i32>} : memref<14336xf32, #tpu.memory_space<vmem>>, vector<16xf32>,
      %slice3A_840 = vector.extract_strided_slice %add3A_78 {offsets = [5], sizes = [1], strides = [1]} : vector<16xf32> to vector<1xf32>
      %squeeze3A_841 = vector.extract %slice3A_840[0] : f32 from vector<1xf32>
      %broadcast_in_dim3A_842 = vector.broadcast %squeeze3A_841 : f32 to vector<16xf32>
      %add3A_843 = arith.constant 512 : i32
      %add3A_844 = arith.addi %add3A_843, %mul3A_35 : i32
      %add3A_845 = arith.constant 5 : i32
      %add3A_846 = arith.addi %add3A_844, %add3A_845 : i32
      %mul3A_847 = arith.constant 16 : i32
      %mul3A_848 = arith.muli %add3A_846, %mul3A_847 : i32
      %swap3A_849 = arith.index_cast %mul3A_848 : i32 to index
      %swap3A_850 = tpu.vector_load %arg15[%swap3A_849] {strides = array<i32>} : memref<14336xf32, #tpu.memory_space<vmem>>, vector<16xf32>,
      tpu.vector_store %arg15[%swap3A_849], %broadcast_in_dim3A_842 {strides = array<i32>} : memref<14336xf32, #tpu.memory_space<vmem>>, vector<16xf32>,
      %slice3A_851 = vector.extract_strided_slice %add3A_78 {offsets = [6], sizes = [1], strides = [1]} : vector<16xf32> to vector<1xf32>
      %squeeze3A_852 = vector.extract %slice3A_851[0] : f32 from vector<1xf32>
      %broadcast_in_dim3A_853 = vector.broadcast %squeeze3A_852 : f32 to vector<16xf32>
      %add3A_854 = arith.constant 512 : i32
      %add3A_855 = arith.addi %add3A_854, %mul3A_35 : i32
      %add3A_856 = arith.constant 6 : i32
      %add3A_857 = arith.addi %add3A_855, %add3A_856 : i32
      %mul3A_858 = arith.constant 16 : i32
      %mul3A_859 = arith.muli %add3A_857, %mul3A_858 : i32
      %swap3A_860 = arith.index_cast %mul3A_859 : i32 to index
      %swap3A_861 = tpu.vector_load %arg15[%swap3A_860] {strides = array<i32>} : memref<14336xf32, #tpu.memory_space<vmem>>, vector<16xf32>,
      tpu.vector_store %arg15[%swap3A_860], %broadcast_in_dim3A_853 {strides = array<i32>} : memref<14336xf32, #tpu.memory_space<vmem>>, vector<16xf32>,
      %slice3A_862 = vector.extract_strided_slice %add3A_78 {offsets = [7], sizes = [1], strides = [1]} : vector<16xf32> to vector<1xf32>
      %squeeze3A_863 = vector.extract %slice3A_862[0] : f32 from vector<1xf32>
      %broadcast_in_dim3A_864 = vector.broadcast %squeeze3A_863 : f32 to vector<16xf32>
      %add3A_865 = arith.constant 512 : i32
      %add3A_866 = arith.addi %add3A_865, %mul3A_35 : i32
      %add3A_867 = arith.constant 7 : i32
      %add3A_868 = arith.addi %add3A_866, %add3A_867 : i32
      %mul3A_869 = arith.constant 16 : i32
      %mul3A_870 = arith.muli %add3A_868, %mul3A_869 : i32
      %swap3A_871 = arith.index_cast %mul3A_870 : i32 to index
      %swap3A_872 = tpu.vector_load %arg15[%swap3A_871] {strides = array<i32>} : memref<14336xf32, #tpu.memory_space<vmem>>, vector<16xf32>,
      tpu.vector_store %arg15[%swap3A_871], %broadcast_in_dim3A_864 {strides = array<i32>} : memref<14336xf32, #tpu.memory_space<vmem>>, vector<16xf32>,
      %slice3A_873 = vector.extract_strided_slice %add3A_78 {offsets = [8], sizes = [1], strides = [1]} : vector<16xf32> to vector<1xf32>
      %squeeze3A_874 = vector.extract %slice3A_873[0] : f32 from vector<1xf32>
      %broadcast_in_dim3A_875 = vector.broadcast %squeeze3A_874 : f32 to vector<16xf32>
      %add3A_876 = arith.constant 512 : i32
      %add3A_877 = arith.addi %add3A_876, %mul3A_35 : i32
      %add3A_878 = arith.constant 8 : i32
      %add3A_879 = arith.addi %add3A_877, %add3A_878 : i32
      %mul3A_880 = arith.constant 16 : i32
      %mul3A_881 = arith.muli %add3A_879, %mul3A_880 : i32
      %swap3A_882 = arith.index_cast %mul3A_881 : i32 to index
      %swap3A_883 = tpu.vector_load %arg15[%swap3A_882] {strides = array<i32>} : memref<14336xf32, #tpu.memory_space<vmem>>, vector<16xf32>,
      tpu.vector_store %arg15[%swap3A_882], %broadcast_in_dim3A_875 {strides = array<i32>} : memref<14336xf32, #tpu.memory_space<vmem>>, vector<16xf32>,
      %slice3A_884 = vector.extract_strided_slice %add3A_78 {offsets = [9], sizes = [1], strides = [1]} : vector<16xf32> to vector<1xf32>
      %squeeze3A_885 = vector.extract %slice3A_884[0] : f32 from vector<1xf32>
      %broadcast_in_dim3A_886 = vector.broadcast %squeeze3A_885 : f32 to vector<16xf32>
      %add3A_887 = arith.constant 512 : i32
      %add3A_888 = arith.addi %add3A_887, %mul3A_35 : i32
      %add3A_889 = arith.constant 9 : i32
      %add3A_890 = arith.addi %add3A_888, %add3A_889 : i32
      %mul3A_891 = arith.constant 16 : i32
      %mul3A_892 = arith.muli %add3A_890, %mul3A_891 : i32
      %swap3A_893 = arith.index_cast %mul3A_892 : i32 to index
      %swap3A_894 = tpu.vector_load %arg15[%swap3A_893] {strides = array<i32>} : memref<14336xf32, #tpu.memory_space<vmem>>, vector<16xf32>,
      tpu.vector_store %arg15[%swap3A_893], %broadcast_in_dim3A_886 {strides = array<i32>} : memref<14336xf32, #tpu.memory_space<vmem>>, vector<16xf32>,
      %slice3A_895 = vector.extract_strided_slice %add3A_78 {offsets = [10], sizes = [1], strides = [1]} : vector<16xf32> to vector<1xf32>
      %squeeze3A_896 = vector.extract %slice3A_895[0] : f32 from vector<1xf32>
      %broadcast_in_dim3A_897 = vector.broadcast %squeeze3A_896 : f32 to vector<16xf32>
      %add3A_898 = arith.constant 512 : i32
      %add3A_899 = arith.addi %add3A_898, %mul3A_35 : i32
      %add3A_900 = arith.constant 10 : i32
      %add3A_901 = arith.addi %add3A_899, %add3A_900 : i32
      %mul3A_902 = arith.constant 16 : i32
      %mul3A_903 = arith.muli %add3A_901, %mul3A_902 : i32
      %swap3A_904 = arith.index_cast %mul3A_903 : i32 to index
      %swap3A_905 = tpu.vector_load %arg15[%swap3A_904] {strides = array<i32>} : memref<14336xf32, #tpu.memory_space<vmem>>, vector<16xf32>,
      tpu.vector_store %arg15[%swap3A_904], %broadcast_in_dim3A_897 {strides = array<i32>} : memref<14336xf32, #tpu.memory_space<vmem>>, vector<16xf32>,
      %slice3A_906 = vector.extract_strided_slice %add3A_78 {offsets = [11], sizes = [1], strides = [1]} : vector<16xf32> to vector<1xf32>
      %squeeze3A_907 = vector.extract %slice3A_906[0] : f32 from vector<1xf32>
      %broadcast_in_dim3A_908 = vector.broadcast %squeeze3A_907 : f32 to vector<16xf32>
      %add3A_909 = arith.constant 512 : i32
      %add3A_910 = arith.addi %add3A_909, %mul3A_35 : i32
      %add3A_911 = arith.constant 11 : i32
      %add3A_912 = arith.addi %add3A_910, %add3A_911 : i32
      %mul3A_913 = arith.constant 16 : i32
      %mul3A_914 = arith.muli %add3A_912, %mul3A_913 : i32
      %swap3A_915 = arith.index_cast %mul3A_914 : i32 to index
      %swap3A_916 = tpu.vector_load %arg15[%swap3A_915] {strides = array<i32>} : memref<14336xf32, #tpu.memory_space<vmem>>, vector<16xf32>,
      tpu.vector_store %arg15[%swap3A_915], %broadcast_in_dim3A_908 {strides = array<i32>} : memref<14336xf32, #tpu.memory_space<vmem>>, vector<16xf32>,
      %slice3A_917 = vector.extract_strided_slice %add3A_78 {offsets = [12], sizes = [1], strides = [1]} : vector<16xf32> to vector<1xf32>
      %squeeze3A_918 = vector.extract %slice3A_917[0] : f32 from vector<1xf32>
      %broadcast_in_dim3A_919 = vector.broadcast %squeeze3A_918 : f32 to vector<16xf32>
      %add3A_920 = arith.constant 512 : i32
      %add3A_921 = arith.addi %add3A_920, %mul3A_35 : i32
      %add3A_922 = arith.constant 12 : i32
      %add3A_923 = arith.addi %add3A_921, %add3A_922 : i32
      %mul3A_924 = arith.constant 16 : i32
      %mul3A_925 = arith.muli %add3A_923, %mul3A_924 : i32
      %swap3A_926 = arith.index_cast %mul3A_925 : i32 to index
      %swap3A_927 = tpu.vector_load %arg15[%swap3A_926] {strides = array<i32>} : memref<14336xf32, #tpu.memory_space<vmem>>, vector<16xf32>,
      tpu.vector_store %arg15[%swap3A_926], %broadcast_in_dim3A_919 {strides = array<i32>} : memref<14336xf32, #tpu.memory_space<vmem>>, vector<16xf32>,
      %slice3A_928 = vector.extract_strided_slice %add3A_78 {offsets = [13], sizes = [1], strides = [1]} : vector<16xf32> to vector<1xf32>
      %squeeze3A_929 = vector.extract %slice3A_928[0] : f32 from vector<1xf32>
      %broadcast_in_dim3A_930 = vector.broadcast %squeeze3A_929 : f32 to vector<16xf32>
      %add3A_931 = arith.constant 512 : i32
      %add3A_932 = arith.addi %add3A_931, %mul3A_35 : i32
      %add3A_933 = arith.constant 13 : i32
      %add3A_934 = arith.addi %add3A_932, %add3A_933 : i32
      %mul3A_935 = arith.constant 16 : i32
      %mul3A_936 = arith.muli %add3A_934, %mul3A_935 : i32
      %swap3A_937 = arith.index_cast %mul3A_936 : i32 to index
      %swap3A_938 = tpu.vector_load %arg15[%swap3A_937] {strides = array<i32>} : memref<14336xf32, #tpu.memory_space<vmem>>, vector<16xf32>,
      tpu.vector_store %arg15[%swap3A_937], %broadcast_in_dim3A_930 {strides = array<i32>} : memref<14336xf32, #tpu.memory_space<vmem>>, vector<16xf32>,
      %slice3A_939 = vector.extract_strided_slice %add3A_78 {offsets = [14], sizes = [1], strides = [1]} : vector<16xf32> to vector<1xf32>
      %squeeze3A_940 = vector.extract %slice3A_939[0] : f32 from vector<1xf32>
      %broadcast_in_dim3A_941 = vector.broadcast %squeeze3A_940 : f32 to vector<16xf32>
      %add3A_942 = arith.constant 512 : i32
      %add3A_943 = arith.addi %add3A_942, %mul3A_35 : i32
      %add3A_944 = arith.constant 14 : i32
      %add3A_945 = arith.addi %add3A_943, %add3A_944 : i32
      %mul3A_946 = arith.constant 16 : i32
      %mul3A_947 = arith.muli %add3A_945, %mul3A_946 : i32
      %swap3A_948 = arith.index_cast %mul3A_947 : i32 to index
      %swap3A_949 = tpu.vector_load %arg15[%swap3A_948] {strides = array<i32>} : memref<14336xf32, #tpu.memory_space<vmem>>, vector<16xf32>,
      tpu.vector_store %arg15[%swap3A_948], %broadcast_in_dim3A_941 {strides = array<i32>} : memref<14336xf32, #tpu.memory_space<vmem>>, vector<16xf32>,
      %slice3A_950 = vector.extract_strided_slice %add3A_78 {offsets = [15], sizes = [1], strides = [1]} : vector<16xf32> to vector<1xf32>
      %squeeze3A_951 = vector.extract %slice3A_950[0] : f32 from vector<1xf32>
      %broadcast_in_dim3A_952 = vector.broadcast %squeeze3A_951 : f32 to vector<16xf32>
      %add3A_953 = arith.constant 512 : i32
      %add3A_954 = arith.addi %add3A_953, %mul3A_35 : i32
      %add3A_955 = arith.constant 15 : i32
      %add3A_956 = arith.addi %add3A_954, %add3A_955 : i32
      %mul3A_957 = arith.constant 16 : i32
      %mul3A_958 = arith.muli %add3A_956, %mul3A_957 : i32
      %swap3A_959 = arith.index_cast %mul3A_958 : i32 to index
      %swap3A_960 = tpu.vector_load %arg15[%swap3A_959] {strides = array<i32>} : memref<14336xf32, #tpu.memory_space<vmem>>, vector<16xf32>,
      tpu.vector_store %arg15[%swap3A_959], %broadcast_in_dim3A_952 {strides = array<i32>} : memref<14336xf32, #tpu.memory_space<vmem>>, vector<16xf32>,
      %slice3A_961 = vector.extract_strided_slice %add3A_82 {offsets = [0], sizes = [1], strides = [1]} : vector<16xf32> to vector<1xf32>
      %squeeze3A_962 = vector.extract %slice3A_961[0] : f32 from vector<1xf32>
      %broadcast_in_dim3A_963 = vector.broadcast %squeeze3A_962 : f32 to vector<16xf32>
      %add3A_964 = arith.constant 640 : i32
      %add3A_965 = arith.addi %add3A_964, %mul3A_35 : i32
      %add3A_966 = arith.constant 0 : i32
      %add3A_967 = arith.addi %add3A_965, %add3A_966 : i32
      %mul3A_968 = arith.constant 16 : i32
      %mul3A_969 = arith.muli %add3A_967, %mul3A_968 : i32
      %swap3A_970 = arith.index_cast %mul3A_969 : i32 to index
      %swap3A_971 = tpu.vector_load %arg15[%swap3A_970] {strides = array<i32>} : memref<14336xf32, #tpu.memory_space<vmem>>, vector<16xf32>,
      tpu.vector_store %arg15[%swap3A_970], %broadcast_in_dim3A_963 {strides = array<i32>} : memref<14336xf32, #tpu.memory_space<vmem>>, vector<16xf32>,
      %slice3A_972 = vector.extract_strided_slice %add3A_82 {offsets = [1], sizes = [1], strides = [1]} : vector<16xf32> to vector<1xf32>
      %squeeze3A_973 = vector.extract %slice3A_972[0] : f32 from vector<1xf32>
      %broadcast_in_dim3A_974 = vector.broadcast %squeeze3A_973 : f32 to vector<16xf32>
      %add3A_975 = arith.constant 640 : i32
      %add3A_976 = arith.addi %add3A_975, %mul3A_35 : i32
      %add3A_977 = arith.constant 1 : i32
      %add3A_978 = arith.addi %add3A_976, %add3A_977 : i32
      %mul3A_979 = arith.constant 16 : i32
      %mul3A_980 = arith.muli %add3A_978, %mul3A_979 : i32
      %swap3A_981 = arith.index_cast %mul3A_980 : i32 to index
      %swap3A_982 = tpu.vector_load %arg15[%swap3A_981] {strides = array<i32>} : memref<14336xf32, #tpu.memory_space<vmem>>, vector<16xf32>,
      tpu.vector_store %arg15[%swap3A_981], %broadcast_in_dim3A_974 {strides = array<i32>} : memref<14336xf32, #tpu.memory_space<vmem>>, vector<16xf32>,
      %slice3A_983 = vector.extract_strided_slice %add3A_82 {offsets = [2], sizes = [1], strides = [1]} : vector<16xf32> to vector<1xf32>
      %squeeze3A_984 = vector.extract %slice3A_983[0] : f32 from vector<1xf32>
      %broadcast_in_dim3A_985 = vector.broadcast %squeeze3A_984 : f32 to vector<16xf32>
      %add3A_986 = arith.constant 640 : i32
      %add3A_987 = arith.addi %add3A_986, %mul3A_35 : i32
      %add3A_988 = arith.constant 2 : i32
      %add3A_989 = arith.addi %add3A_987, %add3A_988 : i32
      %mul3A_990 = arith.constant 16 : i32
      %mul3A_991 = arith.muli %add3A_989, %mul3A_990 : i32
      %swap3A_992 = arith.index_cast %mul3A_991 : i32 to index
      %swap3A_993 = tpu.vector_load %arg15[%swap3A_992] {strides = array<i32>} : memref<14336xf32, #tpu.memory_space<vmem>>, vector<16xf32>,
      tpu.vector_store %arg15[%swap3A_992], %broadcast_in_dim3A_985 {strides = array<i32>} : memref<14336xf32, #tpu.memory_space<vmem>>, vector<16xf32>,
      %slice3A_994 = vector.extract_strided_slice %add3A_82 {offsets = [3], sizes = [1], strides = [1]} : vector<16xf32> to vector<1xf32>
      %squeeze3A_995 = vector.extract %slice3A_994[0] : f32 from vector<1xf32>
      %broadcast_in_dim3A_996 = vector.broadcast %squeeze3A_995 : f32 to vector<16xf32>
      %add3A_997 = arith.constant 640 : i32
      %add3A_998 = arith.addi %add3A_997, %mul3A_35 : i32
      %add3A_999 = arith.constant 3 : i32
      %add3A_1000 = arith.addi %add3A_998, %add3A_999 : i32
      %mul3A_1001 = arith.constant 16 : i32
      %mul3A_1002 = arith.muli %add3A_1000, %mul3A_1001 : i32
      %swap3A_1003 = arith.index_cast %mul3A_1002 : i32 to index
      %swap3A_1004 = tpu.vector_load %arg15[%swap3A_1003] {strides = array<i32>} : memref<14336xf32, #tpu.memory_space<vmem>>, vector<16xf32>,
      tpu.vector_store %arg15[%swap3A_1003], %broadcast_in_dim3A_996 {strides = array<i32>} : memref<14336xf32, #tpu.memory_space<vmem>>, vector<16xf32>,
      %slice3A_1005 = vector.extract_strided_slice %add3A_82 {offsets = [4], sizes = [1], strides = [1]} : vector<16xf32> to vector<1xf32>
      %squeeze3A_1006 = vector.extract %slice3A_1005[0] : f32 from vector<1xf32>
      %broadcast_in_dim3A_1007 = vector.broadcast %squeeze3A_1006 : f32 to vector<16xf32>
      %add3A_1008 = arith.constant 640 : i32
      %add3A_1009 = arith.addi %add3A_1008, %mul3A_35 : i32
      %add3A_1010 = arith.constant 4 : i32
      %add3A_1011 = arith.addi %add3A_1009, %add3A_1010 : i32
      %mul3A_1012 = arith.constant 16 : i32
      %mul3A_1013 = arith.muli %add3A_1011, %mul3A_1012 : i32
      %swap3A_1014 = arith.index_cast %mul3A_1013 : i32 to index
      %swap3A_1015 = tpu.vector_load %arg15[%swap3A_1014] {strides = array<i32>} : memref<14336xf32, #tpu.memory_space<vmem>>, vector<16xf32>,
      tpu.vector_store %arg15[%swap3A_1014], %broadcast_in_dim3A_1007 {strides = array<i32>} : memref<14336xf32, #tpu.memory_space<vmem>>, vector<16xf32>,
      %slice3A_1016 = vector.extract_strided_slice %add3A_82 {offsets = [5], sizes = [1], strides = [1]} : vector<16xf32> to vector<1xf32>
      %squeeze3A_1017 = vector.extract %slice3A_1016[0] : f32 from vector<1xf32>
      %broadcast_in_dim3A_1018 = vector.broadcast %squeeze3A_1017 : f32 to vector<16xf32>
      %add3A_1019 = arith.constant 640 : i32
      %add3A_1020 = arith.addi %add3A_1019, %mul3A_35 : i32
      %add3A_1021 = arith.constant 5 : i32
      %add3A_1022 = arith.addi %add3A_1020, %add3A_1021 : i32
      %mul3A_1023 = arith.constant 16 : i32
      %mul3A_1024 = arith.muli %add3A_1022, %mul3A_1023 : i32
      %swap3A_1025 = arith.index_cast %mul3A_1024 : i32 to index
      %swap3A_1026 = tpu.vector_load %arg15[%swap3A_1025] {strides = array<i32>} : memref<14336xf32, #tpu.memory_space<vmem>>, vector<16xf32>,
      tpu.vector_store %arg15[%swap3A_1025], %broadcast_in_dim3A_1018 {strides = array<i32>} : memref<14336xf32, #tpu.memory_space<vmem>>, vector<16xf32>,
      %slice3A_1027 = vector.extract_strided_slice %add3A_82 {offsets = [6], sizes = [1], strides = [1]} : vector<16xf32> to vector<1xf32>
      %squeeze3A_1028 = vector.extract %slice3A_1027[0] : f32 from vector<1xf32>
      %broadcast_in_dim3A_1029 = vector.broadcast %squeeze3A_1028 : f32 to vector<16xf32>
      %add3A_1030 = arith.constant 640 : i32
      %add3A_1031 = arith.addi %add3A_1030, %mul3A_35 : i32
      %add3A_1032 = arith.constant 6 : i32
      %add3A_1033 = arith.addi %add3A_1031, %add3A_1032 : i32
      %mul3A_1034 = arith.constant 16 : i32
      %mul3A_1035 = arith.muli %add3A_1033, %mul3A_1034 : i32
      %swap3A_1036 = arith.index_cast %mul3A_1035 : i32 to index
      %swap3A_1037 = tpu.vector_load %arg15[%swap3A_1036] {strides = array<i32>} : memref<14336xf32, #tpu.memory_space<vmem>>, vector<16xf32>,
      tpu.vector_store %arg15[%swap3A_1036], %broadcast_in_dim3A_1029 {strides = array<i32>} : memref<14336xf32, #tpu.memory_space<vmem>>, vector<16xf32>,
      %slice3A_1038 = vector.extract_strided_slice %add3A_82 {offsets = [7], sizes = [1], strides = [1]} : vector<16xf32> to vector<1xf32>
      %squeeze3A_1039 = vector.extract %slice3A_1038[0] : f32 from vector<1xf32>
      %broadcast_in_dim3A_1040 = vector.broadcast %squeeze3A_1039 : f32 to vector<16xf32>
      %add3A_1041 = arith.constant 640 : i32
      %add3A_1042 = arith.addi %add3A_1041, %mul3A_35 : i32
      %add3A_1043 = arith.constant 7 : i32
      %add3A_1044 = arith.addi %add3A_1042, %add3A_1043 : i32
      %mul3A_1045 = arith.constant 16 : i32
      %mul3A_1046 = arith.muli %add3A_1044, %mul3A_1045 : i32
      %swap3A_1047 = arith.index_cast %mul3A_1046 : i32 to index
      %swap3A_1048 = tpu.vector_load %arg15[%swap3A_1047] {strides = array<i32>} : memref<14336xf32, #tpu.memory_space<vmem>>, vector<16xf32>,
      tpu.vector_store %arg15[%swap3A_1047], %broadcast_in_dim3A_1040 {strides = array<i32>} : memref<14336xf32, #tpu.memory_space<vmem>>, vector<16xf32>,
      %slice3A_1049 = vector.extract_strided_slice %add3A_82 {offsets = [8], sizes = [1], strides = [1]} : vector<16xf32> to vector<1xf32>
      %squeeze3A_1050 = vector.extract %slice3A_1049[0] : f32 from vector<1xf32>
      %broadcast_in_dim3A_1051 = vector.broadcast %squeeze3A_1050 : f32 to vector<16xf32>
      %add3A_1052 = arith.constant 640 : i32
      %add3A_1053 = arith.addi %add3A_1052, %mul3A_35 : i32
      %add3A_1054 = arith.constant 8 : i32
      %add3A_1055 = arith.addi %add3A_1053, %add3A_1054 : i32
      %mul3A_1056 = arith.constant 16 : i32
      %mul3A_1057 = arith.muli %add3A_1055, %mul3A_1056 : i32
      %swap3A_1058 = arith.index_cast %mul3A_1057 : i32 to index
      %swap3A_1059 = tpu.vector_load %arg15[%swap3A_1058] {strides = array<i32>} : memref<14336xf32, #tpu.memory_space<vmem>>, vector<16xf32>,
      tpu.vector_store %arg15[%swap3A_1058], %broadcast_in_dim3A_1051 {strides = array<i32>} : memref<14336xf32, #tpu.memory_space<vmem>>, vector<16xf32>,
      %slice3A_1060 = vector.extract_strided_slice %add3A_82 {offsets = [9], sizes = [1], strides = [1]} : vector<16xf32> to vector<1xf32>
      %squeeze3A_1061 = vector.extract %slice3A_1060[0] : f32 from vector<1xf32>
      %broadcast_in_dim3A_1062 = vector.broadcast %squeeze3A_1061 : f32 to vector<16xf32>
      %add3A_1063 = arith.constant 640 : i32
      %add3A_1064 = arith.addi %add3A_1063, %mul3A_35 : i32
      %add3A_1065 = arith.constant 9 : i32
      %add3A_1066 = arith.addi %add3A_1064, %add3A_1065 : i32
      %mul3A_1067 = arith.constant 16 : i32
      %mul3A_1068 = arith.muli %add3A_1066, %mul3A_1067 : i32
      %swap3A_1069 = arith.index_cast %mul3A_1068 : i32 to index
      %swap3A_1070 = tpu.vector_load %arg15[%swap3A_1069] {strides = array<i32>} : memref<14336xf32, #tpu.memory_space<vmem>>, vector<16xf32>,
      tpu.vector_store %arg15[%swap3A_1069], %broadcast_in_dim3A_1062 {strides = array<i32>} : memref<14336xf32, #tpu.memory_space<vmem>>, vector<16xf32>,
      %slice3A_1071 = vector.extract_strided_slice %add3A_82 {offsets = [10], sizes = [1], strides = [1]} : vector<16xf32> to vector<1xf32>
      %squeeze3A_1072 = vector.extract %slice3A_1071[0] : f32 from vector<1xf32>
      %broadcast_in_dim3A_1073 = vector.broadcast %squeeze3A_1072 : f32 to vector<16xf32>
      %add3A_1074 = arith.constant 640 : i32
      %add3A_1075 = arith.addi %add3A_1074, %mul3A_35 : i32
      %add3A_1076 = arith.constant 10 : i32
      %add3A_1077 = arith.addi %add3A_1075, %add3A_1076 : i32
      %mul3A_1078 = arith.constant 16 : i32
      %mul3A_1079 = arith.muli %add3A_1077, %mul3A_1078 : i32
      %swap3A_1080 = arith.index_cast %mul3A_1079 : i32 to index
      %swap3A_1081 = tpu.vector_load %arg15[%swap3A_1080] {strides = array<i32>} : memref<14336xf32, #tpu.memory_space<vmem>>, vector<16xf32>,
      tpu.vector_store %arg15[%swap3A_1080], %broadcast_in_dim3A_1073 {strides = array<i32>} : memref<14336xf32, #tpu.memory_space<vmem>>, vector<16xf32>,
      %slice3A_1082 = vector.extract_strided_slice %add3A_82 {offsets = [11], sizes = [1], strides = [1]} : vector<16xf32> to vector<1xf32>
      %squeeze3A_1083 = vector.extract %slice3A_1082[0] : f32 from vector<1xf32>
      %broadcast_in_dim3A_1084 = vector.broadcast %squeeze3A_1083 : f32 to vector<16xf32>
      %add3A_1085 = arith.constant 640 : i32
      %add3A_1086 = arith.addi %add3A_1085, %mul3A_35 : i32
      %add3A_1087 = arith.constant 11 : i32
      %add3A_1088 = arith.addi %add3A_1086, %add3A_1087 : i32
      %mul3A_1089 = arith.constant 16 : i32
      %mul3A_1090 = arith.muli %add3A_1088, %mul3A_1089 : i32
      %swap3A_1091 = arith.index_cast %mul3A_1090 : i32 to index
      %swap3A_1092 = tpu.vector_load %arg15[%swap3A_1091] {strides = array<i32>} : memref<14336xf32, #tpu.memory_space<vmem>>, vector<16xf32>,
      tpu.vector_store %arg15[%swap3A_1091], %broadcast_in_dim3A_1084 {strides = array<i32>} : memref<14336xf32, #tpu.memory_space<vmem>>, vector<16xf32>,
      %slice3A_1093 = vector.extract_strided_slice %add3A_82 {offsets = [12], sizes = [1], strides = [1]} : vector<16xf32> to vector<1xf32>
      %squeeze3A_1094 = vector.extract %slice3A_1093[0] : f32 from vector<1xf32>
      %broadcast_in_dim3A_1095 = vector.broadcast %squeeze3A_1094 : f32 to vector<16xf32>
      %add3A_1096 = arith.constant 640 : i32
      %add3A_1097 = arith.addi %add3A_1096, %mul3A_35 : i32
      %add3A_1098 = arith.constant 12 : i32
      %add3A_1099 = arith.addi %add3A_1097, %add3A_1098 : i32
      %mul3A_1100 = arith.constant 16 : i32
      %mul3A_1101 = arith.muli %add3A_1099, %mul3A_1100 : i32
      %swap3A_1102 = arith.index_cast %mul3A_1101 : i32 to index
      %swap3A_1103 = tpu.vector_load %arg15[%swap3A_1102] {strides = array<i32>} : memref<14336xf32, #tpu.memory_space<vmem>>, vector<16xf32>,
      tpu.vector_store %arg15[%swap3A_1102], %broadcast_in_dim3A_1095 {strides = array<i32>} : memref<14336xf32, #tpu.memory_space<vmem>>, vector<16xf32>,
      %slice3A_1104 = vector.extract_strided_slice %add3A_82 {offsets = [13], sizes = [1], strides = [1]} : vector<16xf32> to vector<1xf32>
      %squeeze3A_1105 = vector.extract %slice3A_1104[0] : f32 from vector<1xf32>
      %broadcast_in_dim3A_1106 = vector.broadcast %squeeze3A_1105 : f32 to vector<16xf32>
      %add3A_1107 = arith.constant 640 : i32
      %add3A_1108 = arith.addi %add3A_1107, %mul3A_35 : i32
      %add3A_1109 = arith.constant 13 : i32
      %add3A_1110 = arith.addi %add3A_1108, %add3A_1109 : i32
      %mul3A_1111 = arith.constant 16 : i32
      %mul3A_1112 = arith.muli %add3A_1110, %mul3A_1111 : i32
      %swap3A_1113 = arith.index_cast %mul3A_1112 : i32 to index
      %swap3A_1114 = tpu.vector_load %arg15[%swap3A_1113] {strides = array<i32>} : memref<14336xf32, #tpu.memory_space<vmem>>, vector<16xf32>,
      tpu.vector_store %arg15[%swap3A_1113], %broadcast_in_dim3A_1106 {strides = array<i32>} : memref<14336xf32, #tpu.memory_space<vmem>>, vector<16xf32>,
      %slice3A_1115 = vector.extract_strided_slice %add3A_82 {offsets = [14], sizes = [1], strides = [1]} : vector<16xf32> to vector<1xf32>
      %squeeze3A_1116 = vector.extract %slice3A_1115[0] : f32 from vector<1xf32>
      %broadcast_in_dim3A_1117 = vector.broadcast %squeeze3A_1116 : f32 to vector<16xf32>
      %add3A_1118 = arith.constant 640 : i32
      %add3A_1119 = arith.addi %add3A_1118, %mul3A_35 : i32
      %add3A_1120 = arith.constant 14 : i32
      %add3A_1121 = arith.addi %add3A_1119, %add3A_1120 : i32
      %mul3A_1122 = arith.constant 16 : i32
      %mul3A_1123 = arith.muli %add3A_1121, %mul3A_1122 : i32
      %swap3A_1124 = arith.index_cast %mul3A_1123 : i32 to index
      %swap3A_1125 = tpu.vector_load %arg15[%swap3A_1124] {strides = array<i32>} : memref<14336xf32, #tpu.memory_space<vmem>>, vector<16xf32>,
      tpu.vector_store %arg15[%swap3A_1124], %broadcast_in_dim3A_1117 {strides = array<i32>} : memref<14336xf32, #tpu.memory_space<vmem>>, vector<16xf32>,
      %slice3A_1126 = vector.extract_strided_slice %add3A_82 {offsets = [15], sizes = [1], strides = [1]} : vector<16xf32> to vector<1xf32>
      %squeeze3A_1127 = vector.extract %slice3A_1126[0] : f32 from vector<1xf32>
      %broadcast_in_dim3A_1128 = vector.broadcast %squeeze3A_1127 : f32 to vector<16xf32>
      %add3A_1129 = arith.constant 640 : i32
      %add3A_1130 = arith.addi %add3A_1129, %mul3A_35 : i32
      %add3A_1131 = arith.constant 15 : i32
      %add3A_1132 = arith.addi %add3A_1130, %add3A_1131 : i32
      %mul3A_1133 = arith.constant 16 : i32
      %mul3A_1134 = arith.muli %add3A_1132, %mul3A_1133 : i32
      %swap3A_1135 = arith.index_cast %mul3A_1134 : i32 to index
      %swap3A_1136 = tpu.vector_load %arg15[%swap3A_1135] {strides = array<i32>} : memref<14336xf32, #tpu.memory_space<vmem>>, vector<16xf32>,
      tpu.vector_store %arg15[%swap3A_1135], %broadcast_in_dim3A_1128 {strides = array<i32>} : memref<14336xf32, #tpu.memory_space<vmem>>, vector<16xf32>,
      %slice3A_1137 = vector.extract_strided_slice %mul3A_84 {offsets = [0], sizes = [1], strides = [1]} : vector<16xf32> to vector<1xf32>
      %squeeze3A_1138 = vector.extract %slice3A_1137[0] : f32 from vector<1xf32>
      %broadcast_in_dim3A_1139 = vector.broadcast %squeeze3A_1138 : f32 to vector<16xf32>
      %add3A_1140 = arith.constant 768 : i32
      %add3A_1141 = arith.addi %add3A_1140, %mul3A_35 : i32
      %add3A_1142 = arith.constant 0 : i32
      %add3A_1143 = arith.addi %add3A_1141, %add3A_1142 : i32
      %mul3A_1144 = arith.constant 16 : i32
      %mul3A_1145 = arith.muli %add3A_1143, %mul3A_1144 : i32
      %swap3A_1146 = arith.index_cast %mul3A_1145 : i32 to index
      %swap3A_1147 = tpu.vector_load %arg15[%swap3A_1146] {strides = array<i32>} : memref<14336xf32, #tpu.memory_space<vmem>>, vector<16xf32>,
      tpu.vector_store %arg15[%swap3A_1146], %broadcast_in_dim3A_1139 {strides = array<i32>} : memref<14336xf32, #tpu.memory_space<vmem>>, vector<16xf32>,
      %slice3A_1148 = vector.extract_strided_slice %mul3A_84 {offsets = [1], sizes = [1], strides = [1]} : vector<16xf32> to vector<1xf32>
      %squeeze3A_1149 = vector.extract %slice3A_1148[0] : f32 from vector<1xf32>
      %broadcast_in_dim3A_1150 = vector.broadcast %squeeze3A_1149 : f32 to vector<16xf32>
      %add3A_1151 = arith.constant 768 : i32
      %add3A_1152 = arith.addi %add3A_1151, %mul3A_35 : i32
      %add3A_1153 = arith.constant 1 : i32
      %add3A_1154 = arith.addi %add3A_1152, %add3A_1153 : i32
      %mul3A_1155 = arith.constant 16 : i32
      %mul3A_1156 = arith.muli %add3A_1154, %mul3A_1155 : i32
      %swap3A_1157 = arith.index_cast %mul3A_1156 : i32 to index
      %swap3A_1158 = tpu.vector_load %arg15[%swap3A_1157] {strides = array<i32>} : memref<14336xf32, #tpu.memory_space<vmem>>, vector<16xf32>,
      tpu.vector_store %arg15[%swap3A_1157], %broadcast_in_dim3A_1150 {strides = array<i32>} : memref<14336xf32, #tpu.memory_space<vmem>>, vector<16xf32>,
      %slice3A_1159 = vector.extract_strided_slice %mul3A_84 {offsets = [2], sizes = [1], strides = [1]} : vector<16xf32> to vector<1xf32>
      %squeeze3A_1160 = vector.extract %slice3A_1159[0] : f32 from vector<1xf32>
      %broadcast_in_dim3A_1161 = vector.broadcast %squeeze3A_1160 : f32 to vector<16xf32>
      %add3A_1162 = arith.constant 768 : i32
      %add3A_1163 = arith.addi %add3A_1162, %mul3A_35 : i32
      %add3A_1164 = arith.constant 2 : i32
      %add3A_1165 = arith.addi %add3A_1163, %add3A_1164 : i32
      %mul3A_1166 = arith.constant 16 : i32
      %mul3A_1167 = arith.muli %add3A_1165, %mul3A_1166 : i32
      %swap3A_1168 = arith.index_cast %mul3A_1167 : i32 to index
      %swap3A_1169 = tpu.vector_load %arg15[%swap3A_1168] {strides = array<i32>} : memref<14336xf32, #tpu.memory_space<vmem>>, vector<16xf32>,
      tpu.vector_store %arg15[%swap3A_1168], %broadcast_in_dim3A_1161 {strides = array<i32>} : memref<14336xf32, #tpu.memory_space<vmem>>, vector<16xf32>,
      %slice3A_1170 = vector.extract_strided_slice %mul3A_84 {offsets = [3], sizes = [1], strides = [1]} : vector<16xf32> to vector<1xf32>
      %squeeze3A_1171 = vector.extract %slice3A_1170[0] : f32 from vector<1xf32>
      %broadcast_in_dim3A_1172 = vector.broadcast %squeeze3A_1171 : f32 to vector<16xf32>
      %add3A_1173 = arith.constant 768 : i32
      %add3A_1174 = arith.addi %add3A_1173, %mul3A_35 : i32
      %add3A_1175 = arith.constant 3 : i32
      %add3A_1176 = arith.addi %add3A_1174, %add3A_1175 : i32
      %mul3A_1177 = arith.constant 16 : i32
      %mul3A_1178 = arith.muli %add3A_1176, %mul3A_1177 : i32
      %swap3A_1179 = arith.index_cast %mul3A_1178 : i32 to index
      %swap3A_1180 = tpu.vector_load %arg15[%swap3A_1179] {strides = array<i32>} : memref<14336xf32, #tpu.memory_space<vmem>>, vector<16xf32>,
      tpu.vector_store %arg15[%swap3A_1179], %broadcast_in_dim3A_1172 {strides = array<i32>} : memref<14336xf32, #tpu.memory_space<vmem>>, vector<16xf32>,
      %slice3A_1181 = vector.extract_strided_slice %mul3A_84 {offsets = [4], sizes = [1], strides = [1]} : vector<16xf32> to vector<1xf32>
      %squeeze3A_1182 = vector.extract %slice3A_1181[0] : f32 from vector<1xf32>
      %broadcast_in_dim3A_1183 = vector.broadcast %squeeze3A_1182 : f32 to vector<16xf32>
      %add3A_1184 = arith.constant 768 : i32
      %add3A_1185 = arith.addi %add3A_1184, %mul3A_35 : i32
      %add3A_1186 = arith.constant 4 : i32
      %add3A_1187 = arith.addi %add3A_1185, %add3A_1186 : i32
      %mul3A_1188 = arith.constant 16 : i32
      %mul3A_1189 = arith.muli %add3A_1187, %mul3A_1188 : i32
      %swap3A_1190 = arith.index_cast %mul3A_1189 : i32 to index
      %swap3A_1191 = tpu.vector_load %arg15[%swap3A_1190] {strides = array<i32>} : memref<14336xf32, #tpu.memory_space<vmem>>, vector<16xf32>,
      tpu.vector_store %arg15[%swap3A_1190], %broadcast_in_dim3A_1183 {strides = array<i32>} : memref<14336xf32, #tpu.memory_space<vmem>>, vector<16xf32>,
      %slice3A_1192 = vector.extract_strided_slice %mul3A_84 {offsets = [5], sizes = [1], strides = [1]} : vector<16xf32> to vector<1xf32>
      %squeeze3A_1193 = vector.extract %slice3A_1192[0] : f32 from vector<1xf32>
      %broadcast_in_dim3A_1194 = vector.broadcast %squeeze3A_1193 : f32 to vector<16xf32>
      %add3A_1195 = arith.constant 768 : i32
      %add3A_1196 = arith.addi %add3A_1195, %mul3A_35 : i32
      %add3A_1197 = arith.constant 5 : i32
      %add3A_1198 = arith.addi %add3A_1196, %add3A_1197 : i32
      %mul3A_1199 = arith.constant 16 : i32
      %mul3A_1200 = arith.muli %add3A_1198, %mul3A_1199 : i32
      %swap3A_1201 = arith.index_cast %mul3A_1200 : i32 to index
      %swap3A_1202 = tpu.vector_load %arg15[%swap3A_1201] {strides = array<i32>} : memref<14336xf32, #tpu.memory_space<vmem>>, vector<16xf32>,
      tpu.vector_store %arg15[%swap3A_1201], %broadcast_in_dim3A_1194 {strides = array<i32>} : memref<14336xf32, #tpu.memory_space<vmem>>, vector<16xf32>,
      %slice3A_1203 = vector.extract_strided_slice %mul3A_84 {offsets = [6], sizes = [1], strides = [1]} : vector<16xf32> to vector<1xf32>
      %squeeze3A_1204 = vector.extract %slice3A_1203[0] : f32 from vector<1xf32>
      %broadcast_in_dim3A_1205 = vector.broadcast %squeeze3A_1204 : f32 to vector<16xf32>
      %add3A_1206 = arith.constant 768 : i32
      %add3A_1207 = arith.addi %add3A_1206, %mul3A_35 : i32
      %add3A_1208 = arith.constant 6 : i32
      %add3A_1209 = arith.addi %add3A_1207, %add3A_1208 : i32
      %mul3A_1210 = arith.constant 16 : i32
      %mul3A_1211 = arith.muli %add3A_1209, %mul3A_1210 : i32
      %swap3A_1212 = arith.index_cast %mul3A_1211 : i32 to index
      %swap3A_1213 = tpu.vector_load %arg15[%swap3A_1212] {strides = array<i32>} : memref<14336xf32, #tpu.memory_space<vmem>>, vector<16xf32>,
      tpu.vector_store %arg15[%swap3A_1212], %broadcast_in_dim3A_1205 {strides = array<i32>} : memref<14336xf32, #tpu.memory_space<vmem>>, vector<16xf32>,
      %slice3A_1214 = vector.extract_strided_slice %mul3A_84 {offsets = [7], sizes = [1], strides = [1]} : vector<16xf32> to vector<1xf32>
      %squeeze3A_1215 = vector.extract %slice3A_1214[0] : f32 from vector<1xf32>
      %broadcast_in_dim3A_1216 = vector.broadcast %squeeze3A_1215 : f32 to vector<16xf32>
      %add3A_1217 = arith.constant 768 : i32
      %add3A_1218 = arith.addi %add3A_1217, %mul3A_35 : i32
      %add3A_1219 = arith.constant 7 : i32
      %add3A_1220 = arith.addi %add3A_1218, %add3A_1219 : i32
      %mul3A_1221 = arith.constant 16 : i32
      %mul3A_1222 = arith.muli %add3A_1220, %mul3A_1221 : i32
      %swap3A_1223 = arith.index_cast %mul3A_1222 : i32 to index
      %swap3A_1224 = tpu.vector_load %arg15[%swap3A_1223] {strides = array<i32>} : memref<14336xf32, #tpu.memory_space<vmem>>, vector<16xf32>,
      tpu.vector_store %arg15[%swap3A_1223], %broadcast_in_dim3A_1216 {strides = array<i32>} : memref<14336xf32, #tpu.memory_space<vmem>>, vector<16xf32>,
      %slice3A_1225 = vector.extract_strided_slice %mul3A_84 {offsets = [8], sizes = [1], strides = [1]} : vector<16xf32> to vector<1xf32>
      %squeeze3A_1226 = vector.extract %slice3A_1225[0] : f32 from vector<1xf32>
      %broadcast_in_dim3A_1227 = vector.broadcast %squeeze3A_1226 : f32 to vector<16xf32>
      %add3A_1228 = arith.constant 768 : i32
      %add3A_1229 = arith.addi %add3A_1228, %mul3A_35 : i32
      %add3A_1230 = arith.constant 8 : i32
      %add3A_1231 = arith.addi %add3A_1229, %add3A_1230 : i32
      %mul3A_1232 = arith.constant 16 : i32
      %mul3A_1233 = arith.muli %add3A_1231, %mul3A_1232 : i32
      %swap3A_1234 = arith.index_cast %mul3A_1233 : i32 to index
      %swap3A_1235 = tpu.vector_load %arg15[%swap3A_1234] {strides = array<i32>} : memref<14336xf32, #tpu.memory_space<vmem>>, vector<16xf32>,
      tpu.vector_store %arg15[%swap3A_1234], %broadcast_in_dim3A_1227 {strides = array<i32>} : memref<14336xf32, #tpu.memory_space<vmem>>, vector<16xf32>,
      %slice3A_1236 = vector.extract_strided_slice %mul3A_84 {offsets = [9], sizes = [1], strides = [1]} : vector<16xf32> to vector<1xf32>
      %squeeze3A_1237 = vector.extract %slice3A_1236[0] : f32 from vector<1xf32>
      %broadcast_in_dim3A_1238 = vector.broadcast %squeeze3A_1237 : f32 to vector<16xf32>
      %add3A_1239 = arith.constant 768 : i32
      %add3A_1240 = arith.addi %add3A_1239, %mul3A_35 : i32
      %add3A_1241 = arith.constant 9 : i32
      %add3A_1242 = arith.addi %add3A_1240, %add3A_1241 : i32
      %mul3A_1243 = arith.constant 16 : i32
      %mul3A_1244 = arith.muli %add3A_1242, %mul3A_1243 : i32
      %swap3A_1245 = arith.index_cast %mul3A_1244 : i32 to index
      %swap3A_1246 = tpu.vector_load %arg15[%swap3A_1245] {strides = array<i32>} : memref<14336xf32, #tpu.memory_space<vmem>>, vector<16xf32>,
      tpu.vector_store %arg15[%swap3A_1245], %broadcast_in_dim3A_1238 {strides = array<i32>} : memref<14336xf32, #tpu.memory_space<vmem>>, vector<16xf32>,
      %slice3A_1247 = vector.extract_strided_slice %mul3A_84 {offsets = [10], sizes = [1], strides = [1]} : vector<16xf32> to vector<1xf32>
      %squeeze3A_1248 = vector.extract %slice3A_1247[0] : f32 from vector<1xf32>
      %broadcast_in_dim3A_1249 = vector.broadcast %squeeze3A_1248 : f32 to vector<16xf32>
      %add3A_1250 = arith.constant 768 : i32
      %add3A_1251 = arith.addi %add3A_1250, %mul3A_35 : i32
      %add3A_1252 = arith.constant 10 : i32
      %add3A_1253 = arith.addi %add3A_1251, %add3A_1252 : i32
      %mul3A_1254 = arith.constant 16 : i32
      %mul3A_1255 = arith.muli %add3A_1253, %mul3A_1254 : i32
      %swap3A_1256 = arith.index_cast %mul3A_1255 : i32 to index
      %swap3A_1257 = tpu.vector_load %arg15[%swap3A_1256] {strides = array<i32>} : memref<14336xf32, #tpu.memory_space<vmem>>, vector<16xf32>,
      tpu.vector_store %arg15[%swap3A_1256], %broadcast_in_dim3A_1249 {strides = array<i32>} : memref<14336xf32, #tpu.memory_space<vmem>>, vector<16xf32>,
      %slice3A_1258 = vector.extract_strided_slice %mul3A_84 {offsets = [11], sizes = [1], strides = [1]} : vector<16xf32> to vector<1xf32>
      %squeeze3A_1259 = vector.extract %slice3A_1258[0] : f32 from vector<1xf32>
      %broadcast_in_dim3A_1260 = vector.broadcast %squeeze3A_1259 : f32 to vector<16xf32>
      %add3A_1261 = arith.constant 768 : i32
      %add3A_1262 = arith.addi %add3A_1261, %mul3A_35 : i32
      %add3A_1263 = arith.constant 11 : i32
      %add3A_1264 = arith.addi %add3A_1262, %add3A_1263 : i32
      %mul3A_1265 = arith.constant 16 : i32
      %mul3A_1266 = arith.muli %add3A_1264, %mul3A_1265 : i32
      %swap3A_1267 = arith.index_cast %mul3A_1266 : i32 to index
      %swap3A_1268 = tpu.vector_load %arg15[%swap3A_1267] {strides = array<i32>} : memref<14336xf32, #tpu.memory_space<vmem>>, vector<16xf32>,
      tpu.vector_store %arg15[%swap3A_1267], %broadcast_in_dim3A_1260 {strides = array<i32>} : memref<14336xf32, #tpu.memory_space<vmem>>, vector<16xf32>,
      %slice3A_1269 = vector.extract_strided_slice %mul3A_84 {offsets = [12], sizes = [1], strides = [1]} : vector<16xf32> to vector<1xf32>
      %squeeze3A_1270 = vector.extract %slice3A_1269[0] : f32 from vector<1xf32>
      %broadcast_in_dim3A_1271 = vector.broadcast %squeeze3A_1270 : f32 to vector<16xf32>
      %add3A_1272 = arith.constant 768 : i32
      %add3A_1273 = arith.addi %add3A_1272, %mul3A_35 : i32
      %add3A_1274 = arith.constant 12 : i32
      %add3A_1275 = arith.addi %add3A_1273, %add3A_1274 : i32
      %mul3A_1276 = arith.constant 16 : i32
      %mul3A_1277 = arith.muli %add3A_1275, %mul3A_1276 : i32
      %swap3A_1278 = arith.index_cast %mul3A_1277 : i32 to index
      %swap3A_1279 = tpu.vector_load %arg15[%swap3A_1278] {strides = array<i32>} : memref<14336xf32, #tpu.memory_space<vmem>>, vector<16xf32>,
      tpu.vector_store %arg15[%swap3A_1278], %broadcast_in_dim3A_1271 {strides = array<i32>} : memref<14336xf32, #tpu.memory_space<vmem>>, vector<16xf32>,
      %slice3A_1280 = vector.extract_strided_slice %mul3A_84 {offsets = [13], sizes = [1], strides = [1]} : vector<16xf32> to vector<1xf32>
      %squeeze3A_1281 = vector.extract %slice3A_1280[0] : f32 from vector<1xf32>
      %broadcast_in_dim3A_1282 = vector.broadcast %squeeze3A_1281 : f32 to vector<16xf32>
      %add3A_1283 = arith.constant 768 : i32
      %add3A_1284 = arith.addi %add3A_1283, %mul3A_35 : i32
      %add3A_1285 = arith.constant 13 : i32
      %add3A_1286 = arith.addi %add3A_1284, %add3A_1285 : i32
      %mul3A_1287 = arith.constant 16 : i32
      %mul3A_1288 = arith.muli %add3A_1286, %mul3A_1287 : i32
      %swap3A_1289 = arith.index_cast %mul3A_1288 : i32 to index
      %swap3A_1290 = tpu.vector_load %arg15[%swap3A_1289] {strides = array<i32>} : memref<14336xf32, #tpu.memory_space<vmem>>, vector<16xf32>,
      tpu.vector_store %arg15[%swap3A_1289], %broadcast_in_dim3A_1282 {strides = array<i32>} : memref<14336xf32, #tpu.memory_space<vmem>>, vector<16xf32>,
      %slice3A_1291 = vector.extract_strided_slice %mul3A_84 {offsets = [14], sizes = [1], strides = [1]} : vector<16xf32> to vector<1xf32>
      %squeeze3A_1292 = vector.extract %slice3A_1291[0] : f32 from vector<1xf32>
      %broadcast_in_dim3A_1293 = vector.broadcast %squeeze3A_1292 : f32 to vector<16xf32>
      %add3A_1294 = arith.constant 768 : i32
      %add3A_1295 = arith.addi %add3A_1294, %mul3A_35 : i32
      %add3A_1296 = arith.constant 14 : i32
      %add3A_1297 = arith.addi %add3A_1295, %add3A_1296 : i32
      %mul3A_1298 = arith.constant 16 : i32
      %mul3A_1299 = arith.muli %add3A_1297, %mul3A_1298 : i32
      %swap3A_1300 = arith.index_cast %mul3A_1299 : i32 to index
      %swap3A_1301 = tpu.vector_load %arg15[%swap3A_1300] {strides = array<i32>} : memref<14336xf32, #tpu.memory_space<vmem>>, vector<16xf32>,
      tpu.vector_store %arg15[%swap3A_1300], %broadcast_in_dim3A_1293 {strides = array<i32>} : memref<14336xf32, #tpu.memory_space<vmem>>, vector<16xf32>,
      %slice3A_1302 = vector.extract_strided_slice %mul3A_84 {offsets = [15], sizes = [1], strides = [1]} : vector<16xf32> to vector<1xf32>
      %squeeze3A_1303 = vector.extract %slice3A_1302[0] : f32 from vector<1xf32>
      %broadcast_in_dim3A_1304 = vector.broadcast %squeeze3A_1303 : f32 to vector<16xf32>
      %add3A_1305 = arith.constant 768 : i32
      %add3A_1306 = arith.addi %add3A_1305, %mul3A_35 : i32
      %add3A_1307 = arith.constant 15 : i32
      %add3A_1308 = arith.addi %add3A_1306, %add3A_1307 : i32
      %mul3A_1309 = arith.constant 16 : i32
      %mul3A_1310 = arith.muli %add3A_1308, %mul3A_1309 : i32
      %swap3A_1311 = arith.index_cast %mul3A_1310 : i32 to index
      %swap3A_1312 = tpu.vector_load %arg15[%swap3A_1311] {strides = array<i32>} : memref<14336xf32, #tpu.memory_space<vmem>>, vector<16xf32>,
      tpu.vector_store %arg15[%swap3A_1311], %broadcast_in_dim3A_1304 {strides = array<i32>} : memref<14336xf32, #tpu.memory_space<vmem>>, vector<16xf32>,
      %scan3A_1313 = arith.constant 0 : i32
      scf.yield %scan3A_1313 : i32
    }
    %scan3A_24 = arith.constant 8 : i32
    %scan3A_25 = arith.constant 0 : i32
    %scan3A_26 = arith.constant 0 : i32
    %scan3A_27 = arith.constant 160 : i32
    %scan3A_28 = arith.addi %scan3A_26, %scan3A_27 : i32
    %scan3A_29 = arith.constant 1 : i32
    %scan3A_30 = scf.for %scan3A_32 = %scan3A_26 to %scan3A_28 step %scan3A_29 iter_args(%scan3A_33 = %scan3A_25) -> (i32)  : i32 {
      %mul3A_34 = arith.constant 16 : i32
      %mul3A_35 = arith.muli %scan3A_32, %mul3A_34 : i32
      %get3A = arith.constant 0 : i32
      %get3A_36 = arith.index_cast %get3A : i32 to index
      %get3A_37 = arith.index_cast %mul3A_35 : i32 to index
      %get3A_38 = tpu.vector_load %arg10[%get3A_36, %get3A_37] {strides = array<i32>} : memref<6x2560xf32, #tpu.memory_space<vmem>>, vector<16xf32>,
      %get3A_39 = arith.constant 1 : i32
      %get3A_40 = arith.index_cast %get3A_39 : i32 to index
      %get3A_41 = arith.index_cast %mul3A_35 : i32 to index
      %get3A_42 = tpu.vector_load %arg10[%get3A_40, %get3A_41] {strides = array<i32>} : memref<6x2560xf32, #tpu.memory_space<vmem>>, vector<16xf32>,
      %get3A_43 = arith.constant 2 : i32
      %get3A_44 = arith.index_cast %get3A_43 : i32 to index
      %get3A_45 = arith.index_cast %mul3A_35 : i32 to index
      %get3A_46 = tpu.vector_load %arg10[%get3A_44, %get3A_45] {strides = array<i32>} : memref<6x2560xf32, #tpu.memory_space<vmem>>, vector<16xf32>,
      %get3A_47 = arith.constant 3 : i32
      %get3A_48 = arith.index_cast %get3A_47 : i32 to index
      %get3A_49 = arith.index_cast %mul3A_35 : i32 to index
      %get3A_50 = tpu.vector_load %arg10[%get3A_48, %get3A_49] {strides = array<i32>} : memref<6x2560xf32, #tpu.memory_space<vmem>>, vector<16xf32>,
      %get3A_51 = arith.constant 4 : i32
      %get3A_52 = arith.index_cast %get3A_51 : i32 to index
      %get3A_53 = arith.index_cast %mul3A_35 : i32 to index
      %get3A_54 = tpu.vector_load %arg10[%get3A_52, %get3A_53] {strides = array<i32>} : memref<6x2560xf32, #tpu.memory_space<vmem>>, vector<16xf32>,
      %get3A_55 = arith.constant 5 : i32
      %get3A_56 = arith.index_cast %get3A_55 : i32 to index
      %get3A_57 = arith.index_cast %mul3A_35 : i32 to index
      %get3A_58 = tpu.vector_load %arg10[%get3A_56, %get3A_57] {strides = array<i32>} : memref<6x2560xf32, #tpu.memory_space<vmem>>, vector<16xf32>,
      %mul3A_59 = arith.constant 5.000000e-01 : f32
      %mul3A_60 = vector.broadcast %mul3A_59 : f32 to vector<16xf32>
      %mul3A_61 = arith.mulf %get3A_50, %mul3A_60 : vector<16xf32>
      %sub3A_62 = arith.subf %get3A_38, %mul3A_61 : vector<16xf32>
      %mul3A_63 = arith.constant 5.000000e-01 : f32
      %mul3A_64 = vector.broadcast %mul3A_63 : f32 to vector<16xf32>
      %mul3A_65 = arith.mulf %get3A_54, %mul3A_64 : vector<16xf32>
      %sub3A_66 = arith.subf %get3A_42, %mul3A_65 : vector<16xf32>
      %mul3A_67 = arith.constant 5.000000e-01 : f32
      %mul3A_68 = vector.broadcast %mul3A_67 : f32 to vector<16xf32>
      %mul3A_69 = arith.mulf %get3A_58, %mul3A_68 : vector<16xf32>
      %sub3A_70 = arith.subf %get3A_46, %mul3A_69 : vector<16xf32>
      %mul3A_71 = arith.constant 5.000000e-01 : f32
      %mul3A_72 = vector.broadcast %mul3A_71 : f32 to vector<16xf32>
      %mul3A_73 = arith.mulf %get3A_50, %mul3A_72 : vector<16xf32>
      %add3A_74 = arith.addf %get3A_38, %mul3A_73 : vector<16xf32>
      %mul3A_75 = arith.constant 5.000000e-01 : f32
      %mul3A_76 = vector.broadcast %mul3A_75 : f32 to vector<16xf32>
      %mul3A_77 = arith.mulf %get3A_54, %mul3A_76 : vector<16xf32>
      %add3A_78 = arith.addf %get3A_42, %mul3A_77 : vector<16xf32>
      %mul3A_79 = arith.constant 5.000000e-01 : f32
      %mul3A_80 = vector.broadcast %mul3A_79 : f32 to vector<16xf32>
      %mul3A_81 = arith.mulf %get3A_58, %mul3A_80 : vector<16xf32>
      %add3A_82 = arith.addf %get3A_46, %mul3A_81 : vector<16xf32>
      %mul3A_83 = arith.mulf %get3A_50, %get3A_54 : vector<16xf32>
      %mul3A_84 = arith.mulf %mul3A_83, %get3A_58 : vector<16xf32>
      %broadcast_in_dim3A = arith.constant -1.000000e+00 : f32
      %broadcast_in_dim3A_85 = vector.broadcast %broadcast_in_dim3A : f32 to vector<16xf32>
      %broadcast_in_dim3A_86 = arith.constant 0 : i32
      %broadcast_in_dim3A_87 = vector.broadcast %broadcast_in_dim3A_86 : i32 to vector<16xi32>
      %scan3A_88 = arith.constant 0 : i32
      %scan3A_89 = arith.constant 128 : i32
      %scan3A_90 = arith.addi %scan3A_88, %scan3A_89 : i32
      %scan3A_91 = arith.constant 1 : i32
      %scan3A_92:2 = scf.for %scan3A_217 = %scan3A_88 to %scan3A_90 step %scan3A_91 iter_args(%scan3A_218 = %broadcast_in_dim3A_85, %scan3A_219 = %broadcast_in_dim3A_87) -> (vector<16xf32>, vector<16xi32>)  : i32 {
        %add3A_220 = arith.constant 384 : i32
        %add3A_221 = arith.addi %add3A_220, %scan3A_217 : i32
        %mul3A_222 = arith.constant 16 : i32
        %mul3A_223 = arith.muli %add3A_221, %mul3A_222 : i32
        %get3A_224 = arith.index_cast %mul3A_223 : i32 to index
        %get3A_225 = tpu.vector_load %arg15[%get3A_224] {strides = array<i32>} : memref<14336xf32, #tpu.memory_space<vmem>>, vector<16xf32>,
        %min3A = arith.minimumf %add3A_74, %get3A_225 : vector<16xf32>
        %add3A_226 = arith.constant 0 : i32
        %add3A_227 = arith.addi %add3A_226, %scan3A_217 : i32
        %mul3A_228 = arith.constant 16 : i32
        %mul3A_229 = arith.muli %add3A_227, %mul3A_228 : i32
        %get3A_230 = arith.index_cast %mul3A_229 : i32 to index
        %get3A_231 = tpu.vector_load %arg15[%get3A_230] {strides = array<i32>} : memref<14336xf32, #tpu.memory_space<vmem>>, vector<16xf32>,
        %max3A = arith.maximumf %sub3A_62, %get3A_231 : vector<16xf32>
        %sub3A_232 = arith.subf %min3A, %max3A : vector<16xf32>
        %max3A_233 = arith.constant 0.000000e+00 : f32
        %max3A_234 = vector.broadcast %max3A_233 : f32 to vector<16xf32>
        %max3A_235 = arith.maximumf %sub3A_232, %max3A_234 : vector<16xf32>
        %add3A_236 = arith.constant 512 : i32
        %add3A_237 = arith.addi %add3A_236, %scan3A_217 : i32
        %mul3A_238 = arith.constant 16 : i32
        %mul3A_239 = arith.muli %add3A_237, %mul3A_238 : i32
        %get3A_240 = arith.index_cast %mul3A_239 : i32 to index
        %get3A_241 = tpu.vector_load %arg15[%get3A_240] {strides = array<i32>} : memref<14336xf32, #tpu.memory_space<vmem>>, vector<16xf32>,
        %min3A_242 = arith.minimumf %add3A_78, %get3A_241 : vector<16xf32>
        %add3A_243 = arith.constant 128 : i32
        %add3A_244 = arith.addi %add3A_243, %scan3A_217 : i32
        %mul3A_245 = arith.constant 16 : i32
        %mul3A_246 = arith.muli %add3A_244, %mul3A_245 : i32
        %get3A_247 = arith.index_cast %mul3A_246 : i32 to index
        %get3A_248 = tpu.vector_load %arg15[%get3A_247] {strides = array<i32>} : memref<14336xf32, #tpu.memory_space<vmem>>, vector<16xf32>,
        %max3A_249 = arith.maximumf %sub3A_66, %get3A_248 : vector<16xf32>
        %sub3A_250 = arith.subf %min3A_242, %max3A_249 : vector<16xf32>
        %max3A_251 = arith.constant 0.000000e+00 : f32
        %max3A_252 = vector.broadcast %max3A_251 : f32 to vector<16xf32>
        %max3A_253 = arith.maximumf %sub3A_250, %max3A_252 : vector<16xf32>
        %add3A_254 = arith.constant 640 : i32
        %add3A_255 = arith.addi %add3A_254, %scan3A_217 : i32
        %mul3A_256 = arith.constant 16 : i32
        %mul3A_257 = arith.muli %add3A_255, %mul3A_256 : i32
        %get3A_258 = arith.index_cast %mul3A_257 : i32 to index
        %get3A_259 = tpu.vector_load %arg15[%get3A_258] {strides = array<i32>} : memref<14336xf32, #tpu.memory_space<vmem>>, vector<16xf32>,
        %min3A_260 = arith.minimumf %add3A_82, %get3A_259 : vector<16xf32>
        %add3A_261 = arith.constant 256 : i32
        %add3A_262 = arith.addi %add3A_261, %scan3A_217 : i32
        %mul3A_263 = arith.constant 16 : i32
        %mul3A_264 = arith.muli %add3A_262, %mul3A_263 : i32
        %get3A_265 = arith.index_cast %mul3A_264 : i32 to index
        %get3A_266 = tpu.vector_load %arg15[%get3A_265] {strides = array<i32>} : memref<14336xf32, #tpu.memory_space<vmem>>, vector<16xf32>,
        %max3A_267 = arith.maximumf %sub3A_70, %get3A_266 : vector<16xf32>
        %sub3A_268 = arith.subf %min3A_260, %max3A_267 : vector<16xf32>
        %max3A_269 = arith.constant 0.000000e+00 : f32
        %max3A_270 = vector.broadcast %max3A_269 : f32 to vector<16xf32>
        %max3A_271 = arith.maximumf %sub3A_268, %max3A_270 : vector<16xf32>
        %mul3A_272 = arith.mulf %max3A_235, %max3A_253 : vector<16xf32>
        %mul3A_273 = arith.mulf %mul3A_272, %max3A_271 : vector<16xf32>
        %add3A_274 = arith.constant 768 : i32
        %add3A_275 = arith.addi %add3A_274, %scan3A_217 : i32
        %mul3A_276 = arith.constant 16 : i32
        %mul3A_277 = arith.muli %add3A_275, %mul3A_276 : i32
        %get3A_278 = arith.index_cast %mul3A_277 : i32 to index
        %get3A_279 = tpu.vector_load %arg15[%get3A_278] {strides = array<i32>} : memref<14336xf32, #tpu.memory_space<vmem>>, vector<16xf32>,
        %add3A_280 = arith.addf %mul3A_84, %get3A_279 : vector<16xf32>
        %sub3A_281 = arith.subf %add3A_280, %mul3A_273 : vector<16xf32>
        %add3A_282 = arith.constant 9.99999993E-9 : f32
        %add3A_283 = vector.broadcast %add3A_282 : f32 to vector<16xf32>
        %add3A_284 = arith.addf %sub3A_281, %add3A_283 : vector<16xf32>
        %div3A_285 = arith.divf %mul3A_273, %add3A_284 : vector<16xf32>
        %gt3A = arith.cmpf ogt, %div3A_285, %scan3A_218 : vector<16xf32>
        %select_n3A_286 = arith.select %gt3A, %div3A_285, %scan3A_218 : vector<16xi1>, vector<16xf32>
        %broadcast_in_dim3A_287 = vector.broadcast %scan3A_217 : i32 to vector<16xi32>
        %select_n3A_288 = arith.select %gt3A, %broadcast_in_dim3A_287, %scan3A_219 : vector<16xi1>, vector<16xi32>
        scf.yield %select_n3A_286, %select_n3A_288 : vector<16xf32>, vector<16xi32>
      }
      %scan3A_93 = arith.constant 128 : i32
      %get3A_94 = arith.index_cast %mul3A_35 : i32 to index
      %get3A_95 = tpu.vector_load %arg12[%get3A_94] {strides = array<i32>} : memref<2560xi32, #tpu.memory_space<vmem>>, vector<16xi32>,
      %ge3A = arith.constant 0 : i32
      %ge3A_96 = vector.broadcast %ge3A : i32 to vector<16xi32>
      %ge3A_97 = arith.cmpi sge, %get3A_95, %ge3A_96 : vector<16xi32>
      %not3A = arith.constant dense<true> : vector<16xi1>
      %not3A_98 = arith.xori %ge3A_97, %not3A : vector<16xi1>
      %ge3A_99 = arith.constant 3.000000e-01 : f32
      %ge3A_100 = vector.broadcast %ge3A_99 : f32 to vector<16xf32>
      %ge3A_101 = arith.cmpf oge, %scan3A_92#0, %ge3A_100 : vector<16xf32>
      %and3A_102 = arith.andi %not3A_98, %ge3A_101 : vector<16xi1>
      %broadcast_in_dim3A_103 = arith.constant 0.000000e+00 : f32
      %broadcast_in_dim3A_104 = vector.broadcast %broadcast_in_dim3A_103 : f32 to vector<16xf32>
      %add3A_105 = arith.constant 0 : i32
      %add3A_106 = vector.broadcast %add3A_105 : i32 to vector<16xi32>
      %add3A_107 = arith.addi %scan3A_92#1, %add3A_106 : vector<16xi32>
      %gather3A = tpu.vector_load_idx %arg13[%add3A_107] : memref<896xf32, #tpu.memory_space<vmem>>[vector<16xi32>], vector<16xf32>,
      %get3A_108 = arith.constant 0 : i32
      %get3A_109 = arith.index_cast %get3A_108 : i32 to index
      %get3A_110 = arith.index_cast %mul3A_35 : i32 to index
      %get3A_111 = tpu.vector_load %arg11[%get3A_109, %get3A_110] {strides = array<i32>} : memref<7x2560xf32, #tpu.memory_space<vmem>>, vector<16xf32>,
      %select_n3A_112 = arith.select %and3A_102, %gather3A, %broadcast_in_dim3A_104 : vector<16xi1>, vector<16xf32>
      %select_n3A_113 = arith.select %ge3A_97, %get3A_111, %select_n3A_112 : vector<16xi1>, vector<16xf32>
      %swap3A = arith.constant 0 : i32
      %swap3A_114 = arith.index_cast %swap3A : i32 to index
      %swap3A_115 = arith.index_cast %mul3A_35 : i32 to index
      %swap3A_116 = tpu.vector_load %arg16[%swap3A_114, %swap3A_115] {strides = array<i32>} : memref<7x2560xf32, #tpu.memory_space<vmem>>, vector<16xf32>,
      tpu.vector_store %arg16[%swap3A_114, %swap3A_115], %select_n3A_113 {strides = array<i32>} : memref<7x2560xf32, #tpu.memory_space<vmem>>, vector<16xf32>,
      %add3A_117 = arith.constant 128 : i32
      %add3A_118 = vector.broadcast %add3A_117 : i32 to vector<16xi32>
      %add3A_119 = arith.addi %scan3A_92#1, %add3A_118 : vector<16xi32>
      %gather3A_120 = tpu.vector_load_idx %arg13[%add3A_119] : memref<896xf32, #tpu.memory_space<vmem>>[vector<16xi32>], vector<16xf32>,
      %get3A_121 = arith.constant 1 : i32
      %get3A_122 = arith.index_cast %get3A_121 : i32 to index
      %get3A_123 = arith.index_cast %mul3A_35 : i32 to index
      %get3A_124 = tpu.vector_load %arg11[%get3A_122, %get3A_123] {strides = array<i32>} : memref<7x2560xf32, #tpu.memory_space<vmem>>, vector<16xf32>,
      %select_n3A_125 = arith.select %and3A_102, %gather3A_120, %broadcast_in_dim3A_104 : vector<16xi1>, vector<16xf32>
      %select_n3A_126 = arith.select %ge3A_97, %get3A_124, %select_n3A_125 : vector<16xi1>, vector<16xf32>
      %swap3A_127 = arith.constant 1 : i32
      %swap3A_128 = arith.index_cast %swap3A_127 : i32 to index
      %swap3A_129 = arith.index_cast %mul3A_35 : i32 to index
      %swap3A_130 = tpu.vector_load %arg16[%swap3A_128, %swap3A_129] {strides = array<i32>} : memref<7x2560xf32, #tpu.memory_space<vmem>>, vector<16xf32>,
      tpu.vector_store %arg16[%swap3A_128, %swap3A_129], %select_n3A_126 {strides = array<i32>} : memref<7x2560xf32, #tpu.memory_space<vmem>>, vector<16xf32>,
      %add3A_131 = arith.constant 256 : i32
      %add3A_132 = vector.broadcast %add3A_131 : i32 to vector<16xi32>
      %add3A_133 = arith.addi %scan3A_92#1, %add3A_132 : vector<16xi32>
      %gather3A_134 = tpu.vector_load_idx %arg13[%add3A_133] : memref<896xf32, #tpu.memory_space<vmem>>[vector<16xi32>], vector<16xf32>,
      %get3A_135 = arith.constant 2 : i32
      %get3A_136 = arith.index_cast %get3A_135 : i32 to index
      %get3A_137 = arith.index_cast %mul3A_35 : i32 to index
      %get3A_138 = tpu.vector_load %arg11[%get3A_136, %get3A_137] {strides = array<i32>} : memref<7x2560xf32, #tpu.memory_space<vmem>>, vector<16xf32>,
      %select_n3A_139 = arith.select %and3A_102, %gather3A_134, %broadcast_in_dim3A_104 : vector<16xi1>, vector<16xf32>
      %select_n3A_140 = arith.select %ge3A_97, %get3A_138, %select_n3A_139 : vector<16xi1>, vector<16xf32>
      %swap3A_141 = arith.constant 2 : i32
      %swap3A_142 = arith.index_cast %swap3A_141 : i32 to index
      %swap3A_143 = arith.index_cast %mul3A_35 : i32 to index
      %swap3A_144 = tpu.vector_load %arg16[%swap3A_142, %swap3A_143] {strides = array<i32>} : memref<7x2560xf32, #tpu.memory_space<vmem>>, vector<16xf32>,
      tpu.vector_store %arg16[%swap3A_142, %swap3A_143], %select_n3A_140 {strides = array<i32>} : memref<7x2560xf32, #tpu.memory_space<vmem>>, vector<16xf32>,
      %add3A_145 = arith.constant 384 : i32
      %add3A_146 = vector.broadcast %add3A_145 : i32 to vector<16xi32>
      %add3A_147 = arith.addi %scan3A_92#1, %add3A_146 : vector<16xi32>
      %gather3A_148 = tpu.vector_load_idx %arg13[%add3A_147] : memref<896xf32, #tpu.memory_space<vmem>>[vector<16xi32>], vector<16xf32>,
      %get3A_149 = arith.constant 3 : i32
      %get3A_150 = arith.index_cast %get3A_149 : i32 to index
      %get3A_151 = arith.index_cast %mul3A_35 : i32 to index
      %get3A_152 = tpu.vector_load %arg11[%get3A_150, %get3A_151] {strides = array<i32>} : memref<7x2560xf32, #tpu.memory_space<vmem>>, vector<16xf32>,
      %select_n3A_153 = arith.select %and3A_102, %gather3A_148, %broadcast_in_dim3A_104 : vector<16xi1>, vector<16xf32>
      %select_n3A_154 = arith.select %ge3A_97, %get3A_152, %select_n3A_153 : vector<16xi1>, vector<16xf32>
      %swap3A_155 = arith.constant 3 : i32
      %swap3A_156 = arith.index_cast %swap3A_155 : i32 to index
      %swap3A_157 = arith.index_cast %mul3A_35 : i32 to index
      %swap3A_158 = tpu.vector_load %arg16[%swap3A_156, %swap3A_157] {strides = array<i32>} : memref<7x2560xf32, #tpu.memory_space<vmem>>, vector<16xf32>,
      tpu.vector_store %arg16[%swap3A_156, %swap3A_157], %select_n3A_154 {strides = array<i32>} : memref<7x2560xf32, #tpu.memory_space<vmem>>, vector<16xf32>,
      %add3A_159 = arith.constant 512 : i32
      %add3A_160 = vector.broadcast %add3A_159 : i32 to vector<16xi32>
      %add3A_161 = arith.addi %scan3A_92#1, %add3A_160 : vector<16xi32>
      %gather3A_162 = tpu.vector_load_idx %arg13[%add3A_161] : memref<896xf32, #tpu.memory_space<vmem>>[vector<16xi32>], vector<16xf32>,
      %get3A_163 = arith.constant 4 : i32
      %get3A_164 = arith.index_cast %get3A_163 : i32 to index
      %get3A_165 = arith.index_cast %mul3A_35 : i32 to index
      %get3A_166 = tpu.vector_load %arg11[%get3A_164, %get3A_165] {strides = array<i32>} : memref<7x2560xf32, #tpu.memory_space<vmem>>, vector<16xf32>,
      %select_n3A_167 = arith.select %and3A_102, %gather3A_162, %broadcast_in_dim3A_104 : vector<16xi1>, vector<16xf32>
      %select_n3A_168 = arith.select %ge3A_97, %get3A_166, %select_n3A_167 : vector<16xi1>, vector<16xf32>
      %swap3A_169 = arith.constant 4 : i32
      %swap3A_170 = arith.index_cast %swap3A_169 : i32 to index
      %swap3A_171 = arith.index_cast %mul3A_35 : i32 to index
      %swap3A_172 = tpu.vector_load %arg16[%swap3A_170, %swap3A_171] {strides = array<i32>} : memref<7x2560xf32, #tpu.memory_space<vmem>>, vector<16xf32>,
      tpu.vector_store %arg16[%swap3A_170, %swap3A_171], %select_n3A_168 {strides = array<i32>} : memref<7x2560xf32, #tpu.memory_space<vmem>>, vector<16xf32>,
      %add3A_173 = arith.constant 640 : i32
      %add3A_174 = vector.broadcast %add3A_173 : i32 to vector<16xi32>
      %add3A_175 = arith.addi %scan3A_92#1, %add3A_174 : vector<16xi32>
      %gather3A_176 = tpu.vector_load_idx %arg13[%add3A_175] : memref<896xf32, #tpu.memory_space<vmem>>[vector<16xi32>], vector<16xf32>,
      %get3A_177 = arith.constant 5 : i32
      %get3A_178 = arith.index_cast %get3A_177 : i32 to index
      %get3A_179 = arith.index_cast %mul3A_35 : i32 to index
      %get3A_180 = tpu.vector_load %arg11[%get3A_178, %get3A_179] {strides = array<i32>} : memref<7x2560xf32, #tpu.memory_space<vmem>>, vector<16xf32>,
      %select_n3A_181 = arith.select %and3A_102, %gather3A_176, %broadcast_in_dim3A_104 : vector<16xi1>, vector<16xf32>
      %select_n3A_182 = arith.select %ge3A_97, %get3A_180, %select_n3A_181 : vector<16xi1>, vector<16xf32>
      %swap3A_183 = arith.constant 5 : i32
      %swap3A_184 = arith.index_cast %swap3A_183 : i32 to index
      %swap3A_185 = arith.index_cast %mul3A_35 : i32 to index
      %swap3A_186 = tpu.vector_load %arg16[%swap3A_184, %swap3A_185] {strides = array<i32>} : memref<7x2560xf32, #tpu.memory_space<vmem>>, vector<16xf32>,
      tpu.vector_store %arg16[%swap3A_184, %swap3A_185], %select_n3A_182 {strides = array<i32>} : memref<7x2560xf32, #tpu.memory_space<vmem>>, vector<16xf32>,
      %add3A_187 = arith.constant 768 : i32
      %add3A_188 = vector.broadcast %add3A_187 : i32 to vector<16xi32>
      %add3A_189 = arith.addi %scan3A_92#1, %add3A_188 : vector<16xi32>
      %gather3A_190 = tpu.vector_load_idx %arg13[%add3A_189] : memref<896xf32, #tpu.memory_space<vmem>>[vector<16xi32>], vector<16xf32>,
      %neg3A = arith.constant 0.000000e+00 : f32
      %neg3A_191 = vector.broadcast %neg3A : f32 to vector<16xf32>
      %neg3A_192 = arith.subf %neg3A_191, %gather3A_190 : vector<16xf32>
      %get3A_193 = arith.constant 6 : i32
      %get3A_194 = arith.index_cast %get3A_193 : i32 to index
      %get3A_195 = arith.index_cast %mul3A_35 : i32 to index
      %get3A_196 = tpu.vector_load %arg11[%get3A_194, %get3A_195] {strides = array<i32>} : memref<7x2560xf32, #tpu.memory_space<vmem>>, vector<16xf32>,
      %neg3A_197 = arith.constant 0.000000e+00 : f32
      %neg3A_198 = vector.broadcast %neg3A_197 : f32 to vector<16xf32>
      %neg3A_199 = arith.subf %neg3A_198, %get3A_196 : vector<16xf32>
      %select_n3A_200 = arith.select %and3A_102, %neg3A_192, %broadcast_in_dim3A_104 : vector<16xi1>, vector<16xf32>
      %select_n3A_201 = arith.select %ge3A_97, %neg3A_199, %select_n3A_200 : vector<16xi1>, vector<16xf32>
      %swap3A_202 = arith.constant 6 : i32
      %swap3A_203 = arith.index_cast %swap3A_202 : i32 to index
      %swap3A_204 = arith.index_cast %mul3A_35 : i32 to index
      %swap3A_205 = tpu.vector_load %arg16[%swap3A_203, %swap3A_204] {strides = array<i32>} : memref<7x2560xf32, #tpu.memory_space<vmem>>, vector<16xf32>,
      tpu.vector_store %arg16[%swap3A_203, %swap3A_204], %select_n3A_201 {strides = array<i32>} : memref<7x2560xf32, #tpu.memory_space<vmem>>, vector<16xf32>,
      %gather3A_206 = tpu.vector_load_idx %arg14[%scan3A_92#1] : memref<128xi32, #tpu.memory_space<vmem>>[vector<16xi32>], vector<16xi32>,
      %broadcast_in_dim3A_207 = arith.constant 11 : i32
      %broadcast_in_dim3A_208 = vector.broadcast %broadcast_in_dim3A_207 : i32 to vector<16xi32>
      %select_n3A_209 = arith.select %and3A_102, %gather3A_206, %broadcast_in_dim3A_208 : vector<16xi1>, vector<16xi32>
      %select_n3A_210 = arith.select %ge3A_97, %get3A_95, %select_n3A_209 : vector<16xi1>, vector<16xi32>
      %swap3A_211 = arith.index_cast %mul3A_35 : i32 to index
      %swap3A_212 = tpu.vector_load %arg17[%swap3A_211] {strides = array<i32>} : memref<2560xi32, #tpu.memory_space<vmem>>, vector<16xi32>,
      tpu.vector_store %arg17[%swap3A_211], %select_n3A_210 {strides = array<i32>} : memref<2560xi32, #tpu.memory_space<vmem>>, vector<16xi32>,
      %or3A = arith.ori %ge3A_97, %and3A_102 : vector<16xi1>
      %convert_element_type3A = arith.extui %or3A : vector<16xi1> to vector<16xi32>
      %convert_element_type3A_213 = arith.sitofp %convert_element_type3A : vector<16xi32> to vector<16xf32>
      %swap3A_214 = arith.index_cast %mul3A_35 : i32 to index
      %swap3A_215 = tpu.vector_load %arg18[%swap3A_214] {strides = array<i32>} : memref<2560xf32, #tpu.memory_space<vmem>>, vector<16xf32>,
      tpu.vector_store %arg18[%swap3A_214], %convert_element_type3A_213 {strides = array<i32>} : memref<2560xf32, #tpu.memory_space<vmem>>, vector<16xf32>,
      %scan3A_216 = arith.constant 0 : i32
      scf.yield %scan3A_216 : i32
    }
    %scan3A_31 = arith.constant 160 : i32
    "tpu.region"() ({
      %run_scoped3A = tpu.sem_alloc : memref<!tpu.dma_semaphore, #tpu.memory_space<semaphore_mem>>
      %dma_start3A = arith.constant 0 : i32
      %dma_start3A_32 = tpu.memref_slice %arg7[%dma_start3A, %mul3A_2] : memref<7x81920xf32, #tpu.memory_space<hbm>> -> memref<7x2560xf32, #tpu.memory_space<hbm>>
      %dma_start3A_33 = arith.constant 0 : i32
      %dma_start3A_34 = tpu.memref_slice %arg7[%dma_start3A_33, %mul3A_2] : memref<7x81920xf32, #tpu.memory_space<hbm>> -> memref<7x2560xf32, #tpu.memory_space<hbm>>
      tpu.enqueue_dma source(%arg16 : memref<7x2560xf32, #tpu.memory_space<vmem>>) target(%dma_start3A_34 : memref<7x2560xf32, #tpu.memory_space<hbm>>) target_semaphore(%run_scoped3A : memref<!tpu.dma_semaphore, #tpu.memory_space<semaphore_mem>>)
      %dma_wait3A = arith.constant 0 : i32
      %dma_wait3A_35 = tpu.memref_slice %arg7[%dma_wait3A, %mul3A_2] : memref<7x81920xf32, #tpu.memory_space<hbm>> -> memref<7x2560xf32, #tpu.memory_space<hbm>>
      %dma_wait3A_36 = arith.constant 0 : i32
      %dma_wait3A_37 = tpu.memref_slice %arg7[%dma_wait3A_36, %mul3A_2] : memref<7x81920xf32, #tpu.memory_space<hbm>> -> memref<7x2560xf32, #tpu.memory_space<hbm>>
      tpu.wait_dma2 semaphore(%run_scoped3A : memref<!tpu.dma_semaphore, #tpu.memory_space<semaphore_mem>>) src(%arg16 : memref<7x2560xf32, #tpu.memory_space<vmem>>) dst(%dma_wait3A_37 : memref<7x2560xf32, #tpu.memory_space<hbm>>)
      tpu.yield
    }) : () -> ()
    "tpu.region"() ({
      %run_scoped3A = tpu.sem_alloc : memref<!tpu.dma_semaphore, #tpu.memory_space<semaphore_mem>>
      %dma_start3A = tpu.memref_slice %arg8[%mul3A_2] : memref<81920xi32, #tpu.memory_space<hbm>> -> memref<2560xi32, #tpu.memory_space<hbm>>
      %dma_start3A_32 = tpu.memref_slice %arg8[%mul3A_2] : memref<81920xi32, #tpu.memory_space<hbm>> -> memref<2560xi32, #tpu.memory_space<hbm>>
      tpu.enqueue_dma source(%arg17 : memref<2560xi32, #tpu.memory_space<vmem>>) target(%dma_start3A_32 : memref<2560xi32, #tpu.memory_space<hbm>>) target_semaphore(%run_scoped3A : memref<!tpu.dma_semaphore, #tpu.memory_space<semaphore_mem>>)
      %dma_wait3A = tpu.memref_slice %arg8[%mul3A_2] : memref<81920xi32, #tpu.memory_space<hbm>> -> memref<2560xi32, #tpu.memory_space<hbm>>
      %dma_wait3A_33 = tpu.memref_slice %arg8[%mul3A_2] : memref<81920xi32, #tpu.memory_space<hbm>> -> memref<2560xi32, #tpu.memory_space<hbm>>
      tpu.wait_dma2 semaphore(%run_scoped3A : memref<!tpu.dma_semaphore, #tpu.memory_space<semaphore_mem>>) src(%arg17 : memref<2560xi32, #tpu.memory_space<vmem>>) dst(%dma_wait3A_33 : memref<2560xi32, #tpu.memory_space<hbm>>)
      tpu.yield
    }) : () -> ()
    "tpu.region"() ({
      %run_scoped3A = tpu.sem_alloc : memref<!tpu.dma_semaphore, #tpu.memory_space<semaphore_mem>>
      %dma_start3A = tpu.memref_slice %arg9[%mul3A_2] : memref<81920xf32, #tpu.memory_space<hbm>> -> memref<2560xf32, #tpu.memory_space<hbm>>
      %dma_start3A_32 = tpu.memref_slice %arg9[%mul3A_2] : memref<81920xf32, #tpu.memory_space<hbm>> -> memref<2560xf32, #tpu.memory_space<hbm>>
      tpu.enqueue_dma source(%arg18 : memref<2560xf32, #tpu.memory_space<vmem>>) target(%dma_start3A_32 : memref<2560xf32, #tpu.memory_space<hbm>>) target_semaphore(%run_scoped3A : memref<!tpu.dma_semaphore, #tpu.memory_space<semaphore_mem>>)
      %dma_wait3A = tpu.memref_slice %arg9[%mul3A_2] : memref<81920xf32, #tpu.memory_space<hbm>> -> memref<2560xf32, #tpu.memory_space<hbm>>
      %dma_wait3A_33 = tpu.memref_slice %arg9[%mul3A_2] : memref<81920xf32, #tpu.memory_space<hbm>> -> memref<2560xf32, #tpu.memory_space<hbm>>
      tpu.wait_dma2 semaphore(%run_scoped3A : memref<!tpu.dma_semaphore, #tpu.memory_space<semaphore_mem>>) src(%arg18 : memref<2560xf32, #tpu.memory_space<vmem>>) dst(%dma_wait3A_33 : memref<2560xf32, #tpu.memory_space<hbm>>)
      tpu.yield
    }) : () -> ()
    return
  }
}

</mosaic_0001>

<sc_bundles>
// kernel: _run.3.cloned.1.call-start
scs
__scs_entry_jumppad:
0x0: {  	(pc) =	sbr.rel $0x88, $3  }
0x1: {  	(tag) =	ssettag $0x0;
	lr =	simm.s32 $0x1  }
0x2: {  	[smem:$0x3F9C] =	sst lr;
	_ =	strace $0xD0000000  }
0x3: {  	_ = 	snop  }
0x4: {  	_ = 	snop  }
0x5: {  	_ = 	snop  }
0x6: {  	_ = 	snop  }
0x7: {  	_ = 	snop  }
__scs_overlays_trampoline_lowered:
0x8: {  	[smem:$0x3FAB] =	sst s0  }
0x9: {  	[smem:$0x3FAC] =	sst s1  }
0xa: {  	[smem:$0x3FAD] =	sst s2  }
0xb: {  	[smem:$0x3FAE] =	sst s3  }
0xc: {  	[smem:$0x3FAF] =	sst s4  }
0xd: {  	[smem:$0x3FB0] =	sst s5  }
0xe: {  	[smem:$0x3FB1] =	sst s6  }
0xf: {  	[smem:$0x3FB2] =	sst s7  }
0x10: {  	[smem:$0x3FB3] =	sst s8  }
0x11: {  	[smem:$0x3FB4] =	sst s9;
	s0 =	simm.s32 @!p0 $0x0  }
0x12: {  	s1 =	sld [smem:$0x3F9A];
	s0 =	simm.s32 @p0 $0x1  }
0x13: {  	[smem:$0x3FB5] =	sst s0;
	s0 =	simm.s32 @!p1 $0x0  }
0x14: {  	s2 =	sld [smem:$0x3F99];
	s0 =	simm.s32 @p1 $0x1  }
0x15: {  	[smem:$0x3FB6] =	sst s0;
	s0 =	simm.s32 @!p2 $0x0  }
0x16: {  	s3 =	sld [smem:$0x3FDB];
	s0 =	simm.s32 @p2 $0x1  }
0x17: {  	s4 =	simm.s32 $0x1BF5;
	[smem:$0x3FB8] =	sst s0  }
0x18: {  	s0 =	sld [smem:$0x3F9B];
	_ =	swait.ge [sflag:s4], $0x0  }
0x19: {  	s7 =	sld [smem:$0x3F9C]  }
0x1a: {  	s8 =	sadd.s32 $0xFFFFE003, lr  }
0x1b: {  	s9 =	sadd.s32 $0xFFFFFEF7, lr;
	s5 =	simm.s32 $0xFFFFFFFF;
	p2 =	slt.u32 s8, $0xFFFFF086  }
0x1c: {  	p1 =	slt.u32 s9, $0xF7A;
	s5 =	simm.s32 @!p2 $0x0  }
0x1d: {  	s5 =	simm.s32 @p1 $0x1;
	p0 =	seq.s32 s7, s2  }
0x1e: {  	s7 =	smul.u32 @!p0 $0xF7A, s2;
	p2 =	seq.s32 @!p0 s5, $0x0  }
0x1f: {  	s9 =	smul.u32 $0xF7A, s1;
	s8 =	simm.s32 @!p0 $0x1BF5;
	p2 =	por !p2, p0  }
0x20: {  	[sflag:s8] =	ssyncset.s32 @!p0 $0xFFFFF086;
	s6 =	sadd.s32 @!p0 s3, s7;
	s7 =	simm.s32 @!p0 $0x108  }
0x21: {  	s3 =	sadd.s32 s3, s9;
	s6 =	sadd.s32 @!p0 $0x88, s6;
	s7 =	simm.s32 @p2 $0x1082  }
0x22: {  	[simem:s7], [sflag:s8] =	dma.local @!p0 [hbm:s6], $0xF7A  }
0x23: {  	s9 =	sor.u32 $0xD0000000, s2;
	s6 =	simm.s32 $0x108;
	_ =	swait.ge @!p0 [sflag:s8], $0x0  }
0x24: {  	s3 =	sadd.s32 $0x88, s3;
	s6 =	simm.s32 @!p1 $0x1082;
	[sflag:s4] =	ssyncset.s32 $0xFFFFF086  }
0x25: {  	[simem:s6], [sflag:s4] =	dma.local [hbm:s3], $0xF7A  }
0x26: {  	[smem:$0x3F9C] =	sst s1;
	(tag) =	ssettag s2;
	_ =	strace s9  }
0x27: {  	s1 =	sld [smem:$0x3FAC]  }
0x28: {  	s2 =	sld [smem:$0x3FAD]  }
0x29: {  	s4 =	sld [smem:$0x3FAF]  }
0x2a: {  	p0 =	seq.s32 s5, $0x0;
	s5 =	sld [smem:$0x3FB0]  }
0x2b: {  	s6 =	sld [smem:$0x3FB1]  }
0x2c: {  	s7 =	sld [smem:$0x3FB2]  }
0x2d: {  	s3 =	simm.s32 $0x108;
	s8 =	sld [smem:$0x3FB3]  }
0x2e: {  	s3 =	simm.s32 @!p0 $0x1082;
	s9 =	sld [smem:$0x3FB4]  }
0x2f: {  	lr =	sadd.s32 s0, s3;
	s0 =	sld [smem:$0x3FAB]  }
0x30: {  	s3 =	sld [smem:$0x3FAE]  }
0x31: {  	[smem:$0x3FB7] =	sst s10  }
0x32: {  	s10 =	sld [smem:$0x3FB5];
	_ =	sdelay $0x3  }
0x33: {  	p0 =	seq.s32 s10, $0x1;
	s10 =	sld [smem:$0x3FB7];
	_ =	sdelay $0x3  }
0x34: {  	[smem:$0x3FB7] =	sst s10  }
0x35: {  	s10 =	sld [smem:$0x3FB6];
	_ =	sdelay $0x3  }
0x36: {  	p1 =	seq.s32 s10, $0x1;
	s10 =	sld [smem:$0x3FB7];
	_ =	sdelay $0x3  }
0x37: {  	[smem:$0x3FB7] =	sst s10  }
0x38: {  	s10 =	sld [smem:$0x3FB8]  }
0x39: {  	_ = 	snop;
	(pc) =	sbr.ind lr, $3  }
0x3a: {  	_ = 	snop  }
0x3b: {  	_ = 	snop  }
0x3c: {  	p2 =	seq.s32 s10, $0x1;
	s10 =	sld [smem:$0x3FB7]  }
0x3d: {  	_ =	shalt  }
0x3e: {  	_ =	shalt  }
0x3f: {  	_ =	shalt  }
0x40: {  	_ =	shalt  }
0x41: {  	_ =	shalt  }
0x42: {  	_ =	shalt  }
0x43: {  	_ =	shalt  }
0x44: {  	_ =	shalt  }
0x45: {  	_ =	shalt  }
0x46: {  	_ =	shalt  }
0x47: {  	_ =	shalt  }
0x48: {  	_ =	shalt  }
0x49: {  	_ =	shalt  }
0x4a: {  	_ =	shalt  }
0x4b: {  	_ =	shalt  }
0x4c: {  	_ =	shalt  }
0x4d: {  	_ =	shalt  }
0x4e: {  	_ =	shalt  }
0x4f: {  	_ =	shalt  }
0x50: {  	_ =	shalt  }
0x51: {  	_ =	shalt  }
0x52: {  	_ =	shalt  }
0x53: {  	_ =	shalt  }
0x54: {  	_ =	shalt  }
0x55: {  	_ =	shalt  }
0x56: {  	_ =	shalt  }
0x57: {  	_ =	shalt  }
0x58: {  	_ =	shalt  }
0x59: {  	_ =	shalt  }
0x5a: {  	_ =	shalt  }
0x5b: {  	_ =	shalt  }
0x5c: {  	_ =	shalt  }
0x5d: {  	_ =	shalt  }
0x5e: {  	_ =	shalt  }
0x5f: {  	_ =	shalt  }
0x60: {  	_ =	shalt  }
0x61: {  	_ =	shalt  }
0x62: {  	_ =	shalt  }
0x63: {  	_ =	shalt  }
0x64: {  	_ =	shalt  }
0x65: {  	_ =	shalt  }
0x66: {  	_ =	shalt  }
0x67: {  	_ =	shalt  }
0x68: {  	_ =	shalt  }
0x69: {  	_ =	shalt  }
0x6a: {  	_ =	shalt  }
0x6b: {  	_ =	shalt  }
0x6c: {  	_ =	shalt  }
0x6d: {  	_ =	shalt  }
0x6e: {  	_ =	shalt  }
0x6f: {  	_ =	shalt  }
0x70: {  	_ =	shalt  }
0x71: {  	_ =	shalt  }
0x72: {  	_ =	shalt  }
0x73: {  	_ =	shalt  }
0x74: {  	_ =	shalt  }
0x75: {  	_ =	shalt  }
0x76: {  	_ =	shalt  }
0x77: {  	_ =	shalt  }
0x78: {  	_ =	shalt  }
0x79: {  	_ =	shalt  }
0x7a: {  	_ =	shalt  }
0x7b: {  	_ =	shalt  }
0x7c: {  	_ =	shalt  }
0x7d: {  	_ =	shalt  }
0x7e: {  	_ =	shalt  }
0x7f: {  	_ =	shalt  }
0x80: {  	_ =	shalt  }
0x81: {  	_ =	shalt  }
0x82: {  	_ =	shalt  }
0x83: {  	_ =	shalt  }
0x84: {  	_ =	shalt  }
0x85: {  	_ =	shalt  }
0x86: {  	_ =	shalt  }
0x87: {  	_ =	shalt  }
.Lfunc_end0:
.L_simem_size_0:
called_computation_lowered:
.L_overlay_start_0:
0x88: {  	s2 =	sld [smem:$0x3FD9]  }
0x89: {  	s3 =	sld [smem:$0x3FFE];
	_ =	sdelay $0x1  }
0x8a: {  	s1 =	srdreg.scid  }
0x8b: {  	s0 =	sand.u32 $0x1, s1  }
0x8c: {  	s15 =	sshll.u32 s0, $0xA;
	s2 =	sadd.s32 s3, s2  }
0x8d: {  	s2 =	sadd.s32 s2, s15  }
0x8e: {  	[smem:$0x3FC3] =	sst s2  }
0x8f: {  	_ = 	snop  }
0x90: {  	s2 =	sld [smem:$0x3FC9]  }
0x91: {  	s16 =	sld [smem:$0x3FC8]  }
0x92: {  	s4 =	sld [smem:$0x3FD0]  }
0x93: {  	s5 =	sld [smem:$0x3FC7]  }
0x94: {  	s6 =	sld [smem:$0x3FC6]  }
0x95: {  	s8 =	simm.s32 $0xA;
	s9 =	simm.s32 $0x10;
	s7 =	sld [smem:$0x3FC5]  }
0x96: {  	[smem:s9], [sflag:s8] =	dma.local [hbm:s4], $0x1  }
0x97: {  	_ =	swait.eq [sflag:s8], $0x1  }
0x98: {  	s17 =	sld [smem:$0x10];
	[sflag:s8] =	ssyncset.done $0x0  }
0x99: {  	s18 =	sld [smem:$0x11];
	[sflag:s8] =	ssyncadd.s32 $0xFFFFFFFF  }
0x9a: {  	s19 =	sld [smem:$0x12];
	(tm) =	ssettm $0x1  }
0x9b: {  	s10 =	sld [smem:$0x3FFB];
	_ =	sdelay $0x3  }
0x9c: {  	_ =	strace s10  }
0x9d: {  	s10 =	sld [smem:$0x3FFC];
	_ =	sdelay $0x3  }
0x9e: {  	_ =	strace s10  }
0x9f: {  	s10 =	sld [smem:$0x3FFD];
	_ =	sdelay $0x3  }
0xa0: {  	_ =	strace s10  }
0xa1: {  	_ =	strace $0x8FFFFFFF  }
0xa2: {  	s20 =	sld [smem:$0x3FDB];
	_ =	sdelay $0x1  }
0xa3: {  	s11 =	simm.s32 $_scs_section_size  }
0xa4: {  	s12 =	simm.s32 $_size__tile_overlayer_lowered;
	s13 =	simm.s32 $_tile_overlayer_lowered  }
0xa5: {  	s23 =	simm.s32 $0x1BFF;
	s22 =	sshll.u32 s13, $0x1;
	s10 =	sadd.s32 s11, s20  }
0xa6: {  	s14 =	simm.s32 $0x0;
	s21 =	sshll.u32 s12, $0x1;
	s12 =	sadd.s32 s22, s10  }
0xa7: {  	[timem:s14], [sflag:s23] =	dma.local [hbm:s12], s21  }
0xa8: {  	_ =	swait.ge [sflag:s23], s21  }
0xa9: {  	s11 =	ssub.s32 $0x0, s21;
	[sflag:s23] =	ssyncset.done $0x0  }
0xaa: {  	[sflag:s23] =	ssyncadd.s32 s11;
	_ =	sdelay $0x1  }
0xab: {  	s24 =	simm.s32 $0x1B8B  }
0xac: {  	_ =	swait.ge [sflag:s24], $0x1  }
0xad: {  	[sflag:s24] =	ssyncset.done $0x0  }
0xae: {  	s25 =	simm.s32 $0x1B8E;
	[sflag:s24] =	ssyncadd.s32 $0xFFFFFFFF  }
0xaf: {  	s26 =	simm.s32 $execute0_lowered;
	[smem:$0x3FD2] =	sst s25  }
0xb0: {  	s11 =	sshll.u32 s26, $0x1;
	_ =	strace $0x80000046;
	[dreg:$0x1] =	wrdreg $0xFFFFFFFF  }
0xb1: {  	s28 =	simm.s32 $_size_execute0_lowered;
	s10 =	sadd.s32 s10, s11;
	[dreg:$0x0] =	wrdreg $0x0  }
0xb2: {  	s11 =	sshll.u32 s28, $0x1;
	[dreg:$0x2] =	wrdreg s10  }
0xb3: {  	[dreg:$0x3] =	wrdreg s11  }
0xb4: {  	[dreg:$0x4] =	wrdreg $0xC0  }
0xb5: {  	_ =	task [dreg:s14], $0x5FFFF  }
0xb6: {  	[dreg:$0x1] =	wrdreg $0xFFFFFFFF  }
0xb7: {  	[dreg:$0x0] =	wrdreg $0x60  }
0xb8: {  	[dreg:$0x2] =	wrdreg s2  }
0xb9: {  	[dreg:$0x3] =	wrdreg s16  }
0xba: {  	[dreg:$0x4] =	wrdreg s5  }
0xbb: {  	[dreg:$0x5] =	wrdreg s6  }
0xbc: {  	[dreg:$0x6] =	wrdreg s7  }
0xbd: {  	[dreg:$0x7] =	wrdreg s17  }
0xbe: {  	[dreg:$0x8] =	wrdreg s18  }
0xbf: {  	[dreg:$0x9] =	wrdreg s19  }
0xc0: {  	[dreg:$0xa] =	wrdreg $0x9  }
0xc1: {  	_ =	task.clear_ibuf [dreg:s14], $0xBFFFF;
	_ =	strace $0x90000046  }
0xc2: {  	s29 =	simm.s32 $0x9;
	_ =	strace $0x80000048  }
0xc3: {  	_ =	swait.ge [sflag:s29], $0x1  }
0xc4: {  	[sflag:s29] =	ssyncadd.s32 $0xFFFFFFFF  }
0xc5: {  	_ =	strace $0x90000048  }
0xc6: {  	_ =	sfence  }
0xc7: {  	s30 =	sld [smem:$0x0];
	_ =	sdelay $0x2  }
0xc8: {  	s31 =	sshll.u32 s1, $0xD;
	s1 =	sshrl.u32 s1, $0x2  }
0xc9: {  	s3 =	sand.u32 $0x4000, s31;
	s1 =	sadd.s32 s1, s30  }
0xca: {  	s0 =	sor.u32 s3, s0;
	s1 =	sshll.u32 s1, $0x11  }
0xcb: {  	s0 =	sor.u32 s1, s0  }
0xcc: {  	s0 =	sadd.s32 $0x8F2B, s0  }
0xcd: {  	[sflag:s0] =	ssyncadd.remote.s32 $0x1  }
0xce: {  	_ =	sfence.sel $0xFFFF  }
0xcf: {  	[dreg:$0x0] =	wrdreg $0xFFFFFFFF;
	(pc) =	sbr.abs _section_cstart, $3  }
0xd0: {  	[dreg:$0x1] =	wrdreg $0xFFFFFFFF  }
0xd1: {  	_ =	task.clear_ibuf [dreg:s14], $0x2FFFF;
	_ =	strace $0x9FFFFFFF  }
0xd2: {  	(tm) =	ssettm $0x7FFFFFFF  }
0xd3: {  	_ =	shalt  }
tec
execute0_lowered:
.L_overlay_start_1:
0x0: {  	(tag) =	ssettag $0x1  }
0x1: {  	s0 =	rddreg [dreg:$0x0]  }
0x2: {  	s1 =	rddreg [dreg:$0x1]  }
0x3: {  	s3 =	rddreg [dreg:$0x2]  }
0x4: {  	s6 =	rddreg [dreg:$0x3]  }
0x5: {  	s7 =	rddreg [dreg:$0x4]  }
0x6: {  	s8 =	rddreg [dreg:$0x5]  }
0x7: {  	s9 =	rddreg [dreg:$0x6]  }
0x8: {  	s10 =	rddreg [dreg:$0x7]  }
0x9: {  	s4 =	srdreg.scid;
	s14 =	stileid.u32;
	s2 =	simm.s32 $0x0  }
0xa: {  	s17 =	simm.s32 $0xAA00;
	s18 =	simm.s32 $0xAD80;
	s22 =	simm.s32 $0x0  }
0xb: {  	s23 =	simm.s32 $0x0;
	s4 =	sand.u32 $0x1, s4;
	s5 =	sshll.u32 s14, $0x1  }
0xc: {  	[smem:$0x7FF] =	sst s2;
	s11 =	ssub.s32 $0x2, s4;
	s4 =	sor.u32 s4, s5  }
0xd: {  	s30 =	sshll.u32 s14, $0x2;
	_ =	strace $0x80000047;
	s12 =	smul.u32 $0xA00, s4  }
0xe: {  	s31 =	sand.u32 $0x30, s30;
	s29 =	sshrl.u32 s11, $0x1;
	s13 =	smul.u32 $0x140, s4  }
0xf: {  	s6 =	sadd.s32 s6, s31;
	s7 =	sadd.s32 s7, s31;
	s11 =	ssub.s32 s11, s29  }
0x10: {  	s0 =	sadd.s32 s0, s12;
	s4 =	sadd.s32 s1, s12;
	s5 =	sadd.s32 s3, s13  }
0x11: {  	s8 =	sadd.s32 s8, s12;
	s9 =	sadd.s32 s9, s13;
	s10 =	sadd.s32 s10, s13  }
0x12: {  	v0 =	vimm.s32 $0x0;
	s11 =	smax.u32 s11, $0x1;
	s12 =	simm.s32 $0x1;
	[dreg:$0x9] =	wrdreg s0  }
.LBB2_1:
0x13: {  	s0 =	rddreg [dreg:$0x9]  }
0x14: {  	[tilespmem:s2], [sflag:$0x1] =	stream.linear.gather [hbm4b:s0+s2], $0x5000, $0x38;
	[tilespmem:$0x14A00] =	vst v63  }
0x15: {  	_ =	swait.ge [sflag:s12], $0x5000  }
0x16: {  	[sflag:s12] =	ssyncset.done $0x0  }
0x17: {  	s29 =	simm.s32 $0x5000;
	[sflag:s12] =	ssyncadd.s32 $0xFFFFB000  }
0x18: {  	[tilespmem:s29], [sflag:$0x1] =	stream.linear.gather [hbm4b:s4+s2], $0x5000, $0x38;
	[tilespmem:$0x14A00] =	vst v63  }
0x19: {  	_ =	swait.ge [sflag:s12], $0x5000  }
0x1a: {  	[sflag:s12] =	ssyncset.done $0x0  }
0x1b: {  	s30 =	simm.s32 $0xA000;
	[sflag:s12] =	ssyncadd.s32 $0xFFFFB000  }
0x1c: {  	[tilespmem:s30], [sflag:$0x1] =	stream.linear.gather [hbm4b:s5+s2], $0xA00, $0x38;
	[tilespmem:$0x14A00] =	vst v63  }
0x1d: {  	_ =	swait.ge [sflag:s12], $0xA00  }
0x1e: {  	[sflag:s12] =	ssyncset.done $0x0  }
0x1f: {  	s31 =	simm.s32 $0x80;
	s1 =	simm.s32 $0x200;
	[sflag:s12] =	ssyncadd.s32 $0xFFFFF600  }
0x20: {  	[tilespmem:s17], [sflag:$0x1] =	stream.strided.gather [hbm4b:s6+s31], $0x380, s1, s31, $0x38;
	[tilespmem:$0x14A00] =	vst v63  }
0x21: {  	_ =	swait.ge [sflag:s12], $0x380  }
0x22: {  	[sflag:s12] =	ssyncset.done $0x0  }
0x23: {  	[sflag:s12] =	ssyncadd.s32 $0xFFFFFC80  }
0x24: {  	[tilespmem:s18], [sflag:$0x1] =	stream.linear.gather [hbm4b:s7+s2], $0x80, $0x38;
	[tilespmem:$0x14A00] =	vst v63  }
0x25: {  	_ =	swait.ge [sflag:s12], $0x80  }
0x26: {  	[sflag:s12] =	ssyncset.done $0x0  }
0x27: {  	s24 =	simm.s32 $0xFFFFFE00;
	s25 =	simm.s32 $0xC680;
	[sflag:s12] =	ssyncadd.s32 $0xFFFFFF80  }
.LBB2_2:
0x28: {  	s0 =	sshra.s32 s24, $0x2  }
0x29: {  	v1 =	vld [tilespmem:s0+$0xAC00];
	_ =	sdelay $0x1  }
0x2a: {  	v6 =	vld [tilespmem:s0+$0xAA80];
	_ =	sdelay $0x2  }
0x2b: {  	v7 =	vmul.f32 $5.000000000e-01, v1;
	_ =	sdelay $0x1  }
0x2c: {  	v8 =	vsub.f32 v6, v7  }
0x2d: {  	v5 =	vld [tilespmem:s0+$0xAB00]  }
0x2e: {  	v4 =	vld [tilespmem:s0+$0xAB80];
	v9 =	vbroadcast v8, $0x0  }
0x2f: {  	v3 =	vld [tilespmem:s0+$0xAC80];
	v10 =	vbroadcast v8, $0x1  }
0x30: {  	v2 =	vld [tilespmem:s0+$0xAD00];
	v26 =	vbroadcast v8, $0x2;
	[tilespmem:s25+$0xFFFFE780] =	vst v9  }
0x31: {  	v27 =	vbroadcast v8, $0x3;
	[tilespmem:s25+$0xFFFFE790] =	vst v10  }
0x32: {  	v28 =	vbroadcast v8, $0x4;
	[tilespmem:s25+$0xFFFFE7A0] =	vst v26  }
0x33: {  	v29 =	vbroadcast v8, $0x5;
	[tilespmem:s25+$0xFFFFE7B0] =	vst v27  }
0x34: {  	v30 =	vbroadcast v8, $0x6;
	[tilespmem:s25+$0xFFFFE7C0] =	vst v28  }
0x35: {  	v31 =	vbroadcast v8, $0x7;
	[tilespmem:s25+$0xFFFFE7D0] =	vst v29  }
0x36: {  	v32 =	vbroadcast v8, $0x8;
	[tilespmem:s25+$0xFFFFE7E0] =	vst v30  }
0x37: {  	v33 =	vbroadcast v8, $0x9;
	[tilespmem:s25+$0xFFFFE7F0] =	vst v31  }
0x38: {  	v34 =	vbroadcast v8, $0xA;
	[tilespmem:s25+$0xFFFFE800] =	vst v32  }
0x39: {  	v35 =	vbroadcast v8, $0xB;
	[tilespmem:s25+$0xFFFFE810] =	vst v33  }
0x3a: {  	v11 =	vmul.f32 $5.000000000e-01, v3;
	v36 =	vbroadcast v8, $0xC;
	[tilespmem:s25+$0xFFFFE820] =	vst v34  }
0x3b: {  	v37 =	vbroadcast v8, $0xD;
	[tilespmem:s25+$0xFFFFE830] =	vst v35  }
0x3c: {  	v12 =	vsub.f32 v5, v11;
	v38 =	vbroadcast v8, $0xE;
	[tilespmem:s25+$0xFFFFE840] =	vst v36  }
0x3d: {  	v8 =	vbroadcast v8, $0xF;
	[tilespmem:s25+$0xFFFFE850] =	vst v37  }
0x3e: {  	v39 =	vbroadcast v12, $0x0;
	[tilespmem:s25+$0xFFFFE860] =	vst v38  }
0x3f: {  	v40 =	vbroadcast v12, $0x1;
	[tilespmem:s25+$0xFFFFE870] =	vst v8  }
0x40: {  	v41 =	vbroadcast v12, $0x2;
	[tilespmem:s25+$0xFFFFEF80] =	vst v39  }
0x41: {  	v42 =	vbroadcast v12, $0x3;
	[tilespmem:s25+$0xFFFFEF90] =	vst v40  }
0x42: {  	v43 =	vbroadcast v12, $0x4;
	[tilespmem:s25+$0xFFFFEFA0] =	vst v41  }
0x43: {  	v44 =	vbroadcast v12, $0x5;
	[tilespmem:s25+$0xFFFFEFB0] =	vst v42  }
0x44: {  	v45 =	vbroadcast v12, $0x6;
	[tilespmem:s25+$0xFFFFEFC0] =	vst v43  }
0x45: {  	v46 =	vbroadcast v12, $0x7;
	[tilespmem:s25+$0xFFFFEFD0] =	vst v44  }
0x46: {  	v47 =	vbroadcast v12, $0x8;
	[tilespmem:s25+$0xFFFFEFE0] =	vst v45  }
0x47: {  	v48 =	vbroadcast v12, $0x9;
	[tilespmem:s25+$0xFFFFEFF0] =	vst v46  }
0x48: {  	v49 =	vbroadcast v12, $0xA;
	[tilespmem:s25+$0xFFFFF000] =	vst v47  }
0x49: {  	v50 =	vbroadcast v12, $0xB;
	[tilespmem:s25+$0xFFFFF010] =	vst v48  }
0x4a: {  	v51 =	vmul.f32 $5.000000000e-01, v2;
	v52 =	vbroadcast v12, $0xC;
	[tilespmem:s25+$0xFFFFF020] =	vst v49  }
0x4b: {  	v53 =	vbroadcast v12, $0xD;
	[tilespmem:s25+$0xFFFFF030] =	vst v50  }
0x4c: {  	v13 =	vsub.f32 v4, v51;
	v54 =	vbroadcast v12, $0xE;
	[tilespmem:s25+$0xFFFFF040] =	vst v52  }
0x4d: {  	v55 =	vbroadcast v12, $0xF;
	[tilespmem:s25+$0xFFFFF050] =	vst v53  }
0x4e: {  	v56 =	vbroadcast v13, $0x0;
	[tilespmem:s25+$0xFFFFF060] =	vst v54  }
0x4f: {  	v57 =	vbroadcast v13, $0x1;
	[tilespmem:s25+$0xFFFFF070] =	vst v55  }
0x50: {  	v58 =	vbroadcast v13, $0x2;
	[tilespmem:s25+$0xFFFFF780] =	vst v56  }
0x51: {  	v59 =	vbroadcast v13, $0x3;
	[tilespmem:s25+$0xFFFFF790] =	vst v57  }
0x52: {  	v60 =	vbroadcast v13, $0x4;
	[tilespmem:s25+$0xFFFFF7A0] =	vst v58  }
0x53: {  	v61 =	vbroadcast v13, $0x5;
	[tilespmem:s25+$0xFFFFF7B0] =	vst v59  }
0x54: {  	v62 =	vbroadcast v13, $0x6;
	[tilespmem:s25+$0xFFFFF7C0] =	vst v60  }
0x55: {  	v63 =	vbroadcast v13, $0x7;
	[tilespmem:s25+$0xFFFFF7D0] =	vst v61  }
0x56: {  	v12 =	vbroadcast v13, $0x8;
	[tilespmem:s25+$0xFFFFF7E0] =	vst v62  }
0x57: {  	v14 =	vbroadcast v13, $0x9;
	[tilespmem:s25+$0xFFFFF7F0] =	vst v63  }
0x58: {  	v15 =	vbroadcast v13, $0xA;
	[tilespmem:s25+$0xFFFFF800] =	vst v12  }
0x59: {  	v16 =	vbroadcast v13, $0xB;
	[tilespmem:s25+$0xFFFFF810] =	vst v14  }
0x5a: {  	v17 =	vbroadcast v13, $0xC;
	[tilespmem:s25+$0xFFFFF820] =	vst v15  }
0x5b: {  	v18 =	vbroadcast v13, $0xD;
	[tilespmem:s25+$0xFFFFF830] =	vst v16  }
0x5c: {  	v6 =	vadd.f32 v7, v6;
	v19 =	vbroadcast v13, $0xE;
	[tilespmem:s25+$0xFFFFF840] =	vst v17  }
0x5d: {  	v20 =	vbroadcast v13, $0xF;
	[tilespmem:s25+$0xFFFFF850] =	vst v18  }
0x5e: {  	v21 =	vbroadcast v6, $0x0;
	[tilespmem:s25+$0xFFFFF860] =	vst v19  }
0x5f: {  	v22 =	vbroadcast v6, $0x1;
	[tilespmem:s25+$0xFFFFF870] =	vst v20  }
0x60: {  	v23 =	vbroadcast v6, $0x2;
	[tilespmem:s25+$0xFFFFFF80] =	vst v21  }
0x61: {  	v4 =	vadd.f32 v51, v4;
	v24 =	vbroadcast v6, $0x3;
	[tilespmem:s25+$0xFFFFFF90] =	vst v22  }
0x62: {  	v25 =	vbroadcast v6, $0x4;
	[tilespmem:s25+$0xFFFFFFA0] =	vst v23  }
0x63: {  	v1 =	vmul.f32 v3, v1;
	v51 =	vbroadcast v4, $0x0;
	[tilespmem:s25+$0xFFFFFFB0] =	vst v24  }
0x64: {  	v3 =	vbroadcast v4, $0xC;
	[tilespmem:s25+$0xFFFFFFC0] =	vst v25  }
0x65: {  	v1 =	vmul.f32 v2, v1;
	v2 =	vbroadcast v4, $0xE;
	[tilespmem:s25+$0xF80] =	vst v51  }
0x66: {  	v26 =	vbroadcast v6, $0x5;
	[tilespmem:s25+$0x1040] =	vst v3  }
0x67: {  	v27 =	vbroadcast v6, $0x6;
	[tilespmem:s25+$0x1060] =	vst v2  }
0x68: {  	v28 =	vbroadcast v6, $0x7;
	[tilespmem:s25+$0xFFFFFFD0] =	vst v26  }
0x69: {  	v29 =	vbroadcast v6, $0x8;
	[tilespmem:s25+$0xFFFFFFE0] =	vst v27  }
0x6a: {  	v30 =	vbroadcast v6, $0x9;
	[tilespmem:s25+$0xFFFFFFF0] =	vst v28  }
0x6b: {  	v31 =	vbroadcast v6, $0xA;
	[tilespmem:s25+$0x0] =	vst v29  }
0x6c: {  	v32 =	vbroadcast v6, $0xB;
	[tilespmem:s25+$0x10] =	vst v30  }
0x6d: {  	v33 =	vbroadcast v6, $0xC;
	[tilespmem:s25+$0x20] =	vst v31  }
0x6e: {  	v34 =	vbroadcast v6, $0xD;
	[tilespmem:s25+$0x30] =	vst v32  }
0x6f: {  	v5 =	vadd.f32 v11, v5;
	v35 =	vbroadcast v6, $0xE;
	[tilespmem:s25+$0x40] =	vst v33  }
0x70: {  	v6 =	vbroadcast v6, $0xF;
	[tilespmem:s25+$0x50] =	vst v34  }
0x71: {  	v36 =	vbroadcast v5, $0x0;
	[tilespmem:s25+$0x60] =	vst v35  }
0x72: {  	v37 =	vbroadcast v5, $0x1;
	[tilespmem:s25+$0x70] =	vst v6  }
0x73: {  	v38 =	vbroadcast v5, $0x2;
	[tilespmem:s25+$0x780] =	vst v36  }
0x74: {  	v39 =	vbroadcast v5, $0x3;
	[tilespmem:s25+$0x790] =	vst v37  }
0x75: {  	v40 =	vbroadcast v5, $0x4;
	[tilespmem:s25+$0x7A0] =	vst v38  }
0x76: {  	v41 =	vbroadcast v5, $0x5;
	[tilespmem:s25+$0x7B0] =	vst v39  }
0x77: {  	v42 =	vbroadcast v5, $0x6;
	[tilespmem:s25+$0x7C0] =	vst v40  }
0x78: {  	v43 =	vbroadcast v5, $0x7;
	[tilespmem:s25+$0x7D0] =	vst v41  }
0x79: {  	v44 =	vbroadcast v5, $0x8;
	[tilespmem:s25+$0x7E0] =	vst v42  }
0x7a: {  	v45 =	vbroadcast v5, $0x9;
	[tilespmem:s25+$0x7F0] =	vst v43  }
0x7b: {  	v46 =	vbroadcast v5, $0xA;
	[tilespmem:s25+$0x800] =	vst v44  }
0x7c: {  	v47 =	vbroadcast v5, $0xB;
	[tilespmem:s25+$0x810] =	vst v45  }
0x7d: {  	v48 =	vbroadcast v5, $0xC;
	[tilespmem:s25+$0x820] =	vst v46  }
0x7e: {  	v49 =	vbroadcast v5, $0xD;
	[tilespmem:s25+$0x830] =	vst v47  }
0x7f: {  	v50 =	vbroadcast v5, $0xE;
	[tilespmem:s25+$0x840] =	vst v48  }
0x80: {  	v5 =	vbroadcast v5, $0xF;
	[tilespmem:s25+$0x850] =	vst v49  }
0x81: {  	v52 =	vbroadcast v4, $0x1;
	[tilespmem:s25+$0x860] =	vst v50  }
0x82: {  	v53 =	vbroadcast v4, $0x2;
	[tilespmem:s25+$0x870] =	vst v5  }
0x83: {  	v54 =	vbroadcast v4, $0x3;
	[tilespmem:s25+$0xF90] =	vst v52  }
0x84: {  	v55 =	vbroadcast v4, $0x4;
	[tilespmem:s25+$0xFA0] =	vst v53  }
0x85: {  	v56 =	vbroadcast v4, $0x5;
	[tilespmem:s25+$0xFB0] =	vst v54  }
0x86: {  	v57 =	vbroadcast v4, $0x6;
	[tilespmem:s25+$0xFC0] =	vst v55  }
0x87: {  	v58 =	vbroadcast v4, $0x7;
	[tilespmem:s25+$0xFD0] =	vst v56  }
0x88: {  	v59 =	vbroadcast v4, $0x8;
	[tilespmem:s25+$0xFE0] =	vst v57  }
0x89: {  	v60 =	vbroadcast v4, $0x9;
	[tilespmem:s25+$0xFF0] =	vst v58  }
0x8a: {  	v61 =	vbroadcast v4, $0xA;
	[tilespmem:s25+$0x1000] =	vst v59  }
0x8b: {  	v62 =	vbroadcast v4, $0xB;
	[tilespmem:s25+$0x1010] =	vst v60  }
0x8c: {  	v63 =	vbroadcast v4, $0xD;
	[tilespmem:s25+$0x1020] =	vst v61  }
0x8d: {  	v3 =	vbroadcast v4, $0xF;
	[tilespmem:s25+$0x1030] =	vst v62  }
0x8e: {  	v2 =	vbroadcast v1, $0x0;
	[tilespmem:s25+$0x1050] =	vst v63  }
0x8f: {  	[tilespmem:s25+$0x1070] =	vst v3;
	v3 =	vbroadcast v1, $0x1  }
0x90: {  	[tilespmem:s25+$0x1780] =	vst v2;
	v2 =	vbroadcast v1, $0x2  }
0x91: {  	[tilespmem:s25+$0x1790] =	vst v3;
	v3 =	vbroadcast v1, $0x3  }
0x92: {  	[tilespmem:s25+$0x17A0] =	vst v2;
	v2 =	vbroadcast v1, $0x4  }
0x93: {  	[tilespmem:s25+$0x17B0] =	vst v3;
	v3 =	vbroadcast v1, $0x5  }
0x94: {  	[tilespmem:s25+$0x17C0] =	vst v2;
	v2 =	vbroadcast v1, $0x6  }
0x95: {  	[tilespmem:s25+$0x17D0] =	vst v3;
	v3 =	vbroadcast v1, $0x7  }
0x96: {  	[tilespmem:s25+$0x17E0] =	vst v2;
	v2 =	vbroadcast v1, $0x8  }
0x97: {  	[tilespmem:s25+$0x17F0] =	vst v3;
	v3 =	vbroadcast v1, $0x9  }
0x98: {  	[tilespmem:s25+$0x1800] =	vst v2;
	v2 =	vbroadcast v1, $0xA  }
0x99: {  	[tilespmem:s25+$0x1810] =	vst v3;
	v3 =	vbroadcast v1, $0xB  }
0x9a: {  	p0 =	sne.s32 s24, $0xFFFFFFC0;
	[tilespmem:s25+$0x1820] =	vst v2;
	v2 =	vbroadcast v1, $0xC  }
.Ltmp0:
0x9b: {  	[tilespmem:s25+$0x1830] =	vst v3;
	v3 =	vbroadcast v1, $0xD;
	(pc) =	sbr.rel @p0 .LBB2_2-.Ltmp0, $4  }
0x9c: {  	[tilespmem:s25+$0x1840] =	vst v2;
	v2 =	vbroadcast v1, $0xE  }
0x9d: {  	v1 =	vbroadcast v1, $0xF;
	[tilespmem:s25+$0x1850] =	vst v3  }
0x9e: {  	[tilespmem:s25+$0x1860] =	vst v2  }
0x9f: {  	s24 =	sadd.s32 $0x40, s24;
	[tilespmem:s25+$0x1870] =	vst v1;
	s25 =	sadd.s32 $0x100, s25  }
0xa0: {  	s24 =	simm.s32 $0x0  }
.LBB2_4:
0xa1: {  	s3 =	simm.s32 $0xAE00  }
0xa2: {  	s25 =	sshll.u32 s24, $0x4;
	s0 =	sshll.u32 s24, $0x7;
	s13 =	sand.u32 $0x7F0, s23;
	v11 =	vld [tilespmem:s3+$0x0]  }
0xa3: {  	s1 =	sand.u32 $0x70, s25;
	s0 =	sand.u32 $0x7C00, s0;
	v12 =	vld [tilespmem:s13+$0xC600]  }
0xa4: {  	v13 =	vld [tilespmem:s13+$0xCE00];
	s26 =	sor.u32 s1, s0  }
0xa5: {  	v1 =	vld [tilespmem:s26+$0x0]  }
0xa6: {  	v8 =	vld [tilespmem:s26+$0x180]  }
0xa7: {  	v9 =	vld [tilespmem:s26+$0x200]  }
0xa8: {  	v10 =	vld [tilespmem:s26+$0x280]  }
0xa9: {  	v3 =	vld [tilespmem:s26+$0x80]  }
0xaa: {  	v7 =	vld [tilespmem:s26+$0x100]  }
0xab: {  	v14 =	vld [tilespmem:s13+$0xB600];
	v4 =	vmul.f32 $5.000000000e-01, v8  }
0xac: {  	v15 =	vld [tilespmem:s13+$0xD600];
	v5 =	vmul.f32 $5.000000000e-01, v9  }
0xad: {  	s15 =	simm.s32 $0x10;
	v17 =	vld [tilespmem:s13+$0xBE00];
	v16 =	vmul.f32 $5.000000000e-01, v10;
	v2 =	vsub.f32 v1, v4  }
0xae: {  	s1 =	sand.u32 $0x7F0, s15;
	v6 =	vadd.f32 v4, v1;
	v4 =	vsub.f32 v3, v5  }
0xaf: {  	v18 =	vld [tilespmem:s1+$0xC600];
	v8 =	vmul.f32 v9, v8;
	v5 =	vadd.f32 v5, v3;
	v1 =	vsub.f32 v7, v16  }
0xb0: {  	s14 =	simm.s32 $0xAE10;
	v9 =	vld [tilespmem:s1+$0xCE00];
	v3 =	vadd.f32 v16, v7;
	v7 =	vmin.f32 v6, v12;
	v11 =	vmax.f32 v2, v11  }
0xb1: {  	v16 =	vld [tilespmem:s14+$0x0];
	v12 =	vmin.f32 v5, v13;
	v13 =	vmax.f32 v4, v14;
	v7 =	vsub.f32 v7, v11  }
0xb2: {  	v14 =	vld [tilespmem:s13+$0xDE00];
	v11 =	vsub.f32 v12, v13;
	v12 =	vmin.f32 v3, v15;
	v13 =	vmax.f32 v1, v17  }
0xb3: {  	v15 =	vld [tilespmem:s1+$0xB600];
	v12 =	vsub.f32 v12, v13  }
0xb4: {  	v17 =	vmax.f32 v7, $0.0e+00;
	v11 =	vmax.f32 v11, $0.0e+00;
	v7 =	vmul.f32 v10, v8;
	v8 =	vld [tilespmem:s1+$0xD600]  }
0xb5: {  	v10 =	vmul.f32 v11, v17;
	v11 =	vld [tilespmem:s1+$0xBE00]  }
0xb6: {  	s16 =	simm.s32 $0xAE20;
	v16 =	vmax.f32 v2, v16;
	v12 =	vmax.f32 v12, $0.0e+00  }
0xb7: {  	s19 =	simm.s32 $0x20;
	v13 =	vld [tilespmem:s16+$0x0];
	v12 =	vmul.f32 v12, v10;
	v10 =	vadd.f32 v14, v7;
	v14 =	vmin.f32 v6, v18  }
0xb8: {  	s0 =	sand.u32 $0x7F0, s19;
	v9 =	vmin.f32 v5, v9;
	v17 =	vld [tilespmem:s1+$0xDE00];
	v15 =	vmax.f32 v4, v15;
	v14 =	vsub.f32 v14, v16  }
0xb9: {  	v18 =	vld [tilespmem:s0+$0xC600];
	v9 =	vsub.f32 v9, v15;
	v10 =	vsub.f32 v10, v12  }
0xba: {  	v15 =	vld [tilespmem:s0+$0xCE00];
	v8 =	vmin.f32 v3, v8;
	v11 =	vmax.f32 v1, v11;
	v14 =	vmax.f32 v14, $0.0e+00  }
0xbb: {  	v16 =	vld [tilespmem:s0+$0xB600];
	v9 =	vmax.f32 v9, $0.0e+00;
	v10 =	vadd.f32 $9.999999930e-09, v10;
	v8 =	vsub.f32 v8, v11  }
0xbc: {  	v11 =	vld [tilespmem:s0+$0xD600];
	v9 =	vmul.f32 v9, v14  }
0xbd: {  	s21 =	simm.s32 $0x30;
	(erf) = vrcp.f32 v10;
	v10 =	vld [tilespmem:s0+$0xBE00];
	v8 =	vmax.f32 v8, $0.0e+00  }
0xbe: {  	s1 =	sand.u32 $0x7F0, s21;
	v8 =	vmul.f32 v8, v9;
	v9 =	vadd.f32 v17, v7  }
0xbf: {  	v19 =	vld [tilespmem:s1+$0xC600];
	v13 =	vmax.f32 v2, v13;
	v15 =	vmin.f32 v5, v15  }
0xc0: {  	v20 =	vld [tilespmem:s1+$0xB600];
	v16 =	vmax.f32 v4, v16;
	v17 =	vmin.f32 v6, v18;
	v9 =	vsub.f32 v9, v8  }
0xc1: {  	s20 =	simm.s32 $0xAE30;
	v18 =	vld [tilespmem:s0+$0xDE00];
	v15 =	vsub.f32 v15, v16;
	v13 =	vsub.f32 v17, v13  }
0xc2: {  	v14 =	vld [tilespmem:s20+$0x0];
	v11 =	vmin.f32 v3, v11;
	v10 =	vmax.f32 v1, v10;
	v17 =	vadd.f32 $9.999999930e-09, v9  }
0xc3: {  	v16 =	vld [tilespmem:s1+$0xCE00];
	v9 =	vmax.f32 v13, $0.0e+00;
	v13 =	vmax.f32 v15, $0.0e+00;
	v10 =	vsub.f32 v11, v10  }
0xc4: {  	v21 =	vld [tilespmem:s1+$0xD600];
	v13 =	vmul.f32 v13, v9;
	(erf) = vrcp.f32 v17  }
0xc5: {  	s21 =	simm.s32 $0x40;
	v22 =	vld [tilespmem:s1+$0xBE00];
	v20 =	vmax.f32 v4, v20;
	v11 =	vimm.f32 $-1.000000000e+00;
	v10 =	vmax.f32 v10, $0.0e+00  }
0xc6: {  	s20 =	sand.u32 $0x7F0, s21;
	v9 =	vimm.s32 $0x0;
	v17 =	vadd.f32 v18, v7;
	v15 =	vpop (erf);
	v10 =	vmul.f32 v10, v13  }
0xc7: {  	s3 =	simm.s32 $0x5;
	s19 =	simm.s32 $0xAE40;
	s15 =	simm.s32 $0x3;
	v18 =	vmin.f32 v6, v19;
	v19 =	vmax.f32 v2, v14;
	v14 =	vld [tilespmem:s20+$0xC600];
	v15 =	vmul.f32 v15, v12  }
0xc8: {  	s31 =	sor.u32 $0x100, s26;
	s29 =	sor.u32 $0x180, s26;
	s30 =	sor.u32 $0x200, s26;
	v16 =	vmin.f32 v5, v16;
	v13 =	vld [tilespmem:s1+$0xDE00];
	v23 =	vsub.f32 v17, v10;
	v17 =	vsub.f32 v18, v19  }
0xc9: {  	s28 =	sor.u32 $0x280, s26;
	s14 =	simm.s32 $0x4;
	s13 =	simm.s32 $0x1;
	v12 =	vld [tilespmem:s19+$0x0];
	v18 =	vsub.f32 v16, v20;
	v19 =	vmin.f32 v3, v21;
	vm0 =	vgt.f32 v15, v11  }
0xca: {  	s16 =	simm.s32 $0x0;
	s0 =	sor.u32 $0x80, s26;
	s1 =	simm.s32 $0x2;
	v20 =	vmax.f32 v1, v22;
	v11 =	vsel vm0, v15, v11;
	v15 =	vld [tilespmem:s20+$0xCE00];
	v16 =	vadd.f32 $9.999999930e-09, v23  }
.LBB2_5:
0xcb: {  	p0 =	sne.s32 s3, $0x7F;
	v21 =	vld [tilespmem:s20+$0xB600];
	v17 =	vmax.f32 v17, $0.0e+00;
	v18 =	vmax.f32 v18, $0.0e+00;
	v22 =	vsub.f32 v19, v20  }
0xcc: {  	v9 =	vsel vm0, s16, v9;
	s16 =	smov.u32 s13;
	s13 =	smov.u32 s1;
	s1 =	smov.u32 s15;
	v20 =	vld [tilespmem:s20+$0xD600];
	v17 =	vmul.f32 v18, v17;
	(erf) = vrcp.f32 v16  }
0xcd: {  	s15 =	smov.u32 s14;
	s14 =	smov.u32 s3;
	v16 =	vld [tilespmem:s20+$0xBE00];
	v18 =	vmax.f32 v22, $0.0e+00;
	v19 =	vpop (erf)  }
.Ltmp1:
0xce: {  	s19 =	sadd.s32 $0x10, s19;
	v22 =	vadd.f32 v13, v7;
	v19 =	vmul.f32 v19, v8;
	v8 =	vmovc v10;
	v10 =	vmul.f32 v18, v17;
	(pc) =	sbr.rel @p0 .LBB2_5-.Ltmp1, $4  }
0xcf: {  	s21 =	sadd.s32 $0x10, s21;
	v17 =	vmin.f32 v6, v14;
	v18 =	vmax.f32 v2, v12;
	v12 =	vld [tilespmem:s19+$0x0];
	v15 =	vmin.f32 v5, v15  }
0xd0: {  	v21 =	vmax.f32 v4, v21;
	v13 =	vld [tilespmem:s20+$0xDE00];
	s20 =	sand.u32 $0x7F0, s21;
	v22 =	vsub.f32 v22, v10;
	vm0 =	vgt.f32 v19, v11  }
0xd1: {  	v17 =	vsub.f32 v17, v18;
	v14 =	vld [tilespmem:s20+$0xC600];
	v18 =	vsub.f32 v15, v21;
	v11 =	vsel vm0, v19, v11  }
0xd2: {  	s3 =	sadd.s32 $0x1, s3;
	v19 =	vmin.f32 v3, v20;
	v15 =	vld [tilespmem:s20+$0xCE00];
	v20 =	vmax.f32 v1, v16;
	v16 =	vadd.f32 $9.999999930e-09, v22  }
0xd3: {  	v21 =	vld [tilespmem:s20+$0xB600]  }
0xd4: {  	v22 =	vld [tilespmem:s20+$0xD600]  }
0xd5: {  	v23 =	vld [tilespmem:s20+$0xBE00]  }
0xd6: {  	v19 =	vsub.f32 v19, v20  }
0xd7: {  	v44 =	vmax.f32 v17, $0.0e+00;
	v45 =	vmax.f32 v18, $0.0e+00;
	v2 =	vmax.f32 v2, v12  }
0xd8: {  	v6 =	vmin.f32 v6, v14;
	v5 =	vmin.f32 v5, v15;
	v4 =	vmax.f32 v4, v21  }
0xd9: {  	v47 =	vld [tilespmem:s20+$0xDE00];
	v46 =	vmul.f32 v45, v44;
	v2 =	vsub.f32 v6, v2;
	v4 =	vsub.f32 v5, v4  }
0xda: {  	v48 =	vmax.f32 v19, $0.0e+00;
	v3 =	vmin.f32 v3, v22;
	v1 =	vmax.f32 v1, v23  }
0xdb: {  	v2 =	vmax.f32 v2, $0.0e+00;
	v1 =	vsub.f32 v3, v1;
	v4 =	vmax.f32 v4, $0.0e+00  }
0xdc: {  	v49 =	vadd.f32 v13, v7;
	v3 =	vmul.f32 v48, v46;
	v2 =	vmul.f32 v4, v2  }
0xdd: {  	v1 =	vmax.f32 v1, $0.0e+00  }
0xde: {  	v50 =	vsub.f32 v49, v3;
	v1 =	vmul.f32 v1, v2;
	v2 =	vadd.f32 v47, v7;
	_ =	sdelay $0x1  }
0xdf: {  	(erf) = vrcp.f32 v16;
	v4 =	vadd.f32 $9.999999930e-09, v50;
	v2 =	vsub.f32 v2, v1;
	_ =	sdelay $0x1  }
0xe0: {  	(erf) = vrcp.f32 v4;
	v2 =	vadd.f32 $9.999999930e-09, v2;
	_ =	sdelay $0x1  }
0xe1: {  	(erf) = vrcp.f32 v2;
	_ =	sdelay $0x2  }
0xe2: {  	v2 =	vpop (erf)  }
0xe3: {  	v2 =	vmul.f32 v2, v8  }
0xe4: {  	v51 =	vpop (erf)  }
0xe5: {  	v4 =	vmul.f32 v51, v10;
	vm1 =	vgt.f32 v2, v11  }
0xe6: {  	v52 =	vpop (erf);
	v2 =	vsel vm1, v2, v11  }
0xe7: {  	v3 =	vmul.f32 v52, v3;
	vm2 =	vgt.f32 v4, v2  }
0xe8: {  	v53 =	vsel vm0, s16, v9;
	v2 =	vsel vm2, v4, v2;
	v54 =	vpop (erf)  }
0xe9: {  	v5 =	vsel vm1, s13, v53;
	vm11 =	vgt.f32 v3, v2;
	v1 =	vmul.f32 v54, v1  }
0xea: {  	v55 =	vsel vm2, s1, v5;
	v2 =	vsel vm11, v3, v2  }
0xeb: {  	v3 =	vsel vm11, s15, v55;
	vm12 =	vgt.f32 v1, v2  }
0xec: {  	v3 =	vsel vm12, s14, v3;
	_ =	sdelay $0x2  }
0xed: {  	v56 =	vld [tilespmem:s25+$0xA000];
	_ =	sdelay $0x1  }
0xee: {  	v57 =	vld.idx.msk [tilespmem:v3+s17+$0x0], $0xffff  }
0xef: {  	v58 =	vld [tilespmem:s26+$0x5000]  }
0xf0: {  	v1 =	vsel vm12, v1, v2  }
0xf1: {  	vm13 =	vle.s32 v56, $0xFFFFFFFF;
	vm0 =	vge.f32 v1, $3.000000120e-01;
	v1 =	vadd.s32 $0x80, v3  }
0xf2: {  	vm14 =	vmand vm0, vm13  }
0xf3: {  	vm15 =	vgt.s32 v56, $0xFFFFFFFF;
	v2 =	vnsel vm14, $0x0, v57  }
0xf4: {  	v2 =	vsel vm15, v58, v2  }
0xf5: {  	[tilespmem:s26+$0xE600] =	vst v2  }
0xf6: {  	v1 =	vld.idx.msk [tilespmem:v1+s17+$0x0], $0xffff  }
0xf7: {  	v2 =	vld [tilespmem:s0+$0x5000];
	_ =	sdelay $0x1  }
0xf8: {  	v59 =	vadd.s32 $0x100, v3;
	_ =	sdelay $0x1  }
0xf9: {  	v1 =	vnsel vm14, $0x0, v1  }
0xfa: {  	v1 =	vsel vm15, v2, v1  }
0xfb: {  	[tilespmem:s0+$0xE600] =	vst v1  }
0xfc: {  	v1 =	vld.idx.msk [tilespmem:v59+s17+$0x0], $0xffff  }
0xfd: {  	v2 =	vld [tilespmem:s31+$0x5000];
	_ =	sdelay $0x1  }
0xfe: {  	v60 =	vadd.s32 $0x180, v3;
	_ =	sdelay $0x1  }
0xff: {  	v1 =	vnsel vm14, $0x0, v1  }
0x100: {  	v1 =	vsel vm15, v2, v1  }
0x101: {  	[tilespmem:s31+$0xE600] =	vst v1  }
0x102: {  	v1 =	vld.idx.msk [tilespmem:v60+s17+$0x0], $0xffff  }
0x103: {  	v2 =	vld [tilespmem:s29+$0x5000];
	_ =	sdelay $0x1  }
0x104: {  	v61 =	vadd.s32 $0x200, v3;
	_ =	sdelay $0x1  }
0x105: {  	v1 =	vnsel vm14, $0x0, v1  }
0x106: {  	v1 =	vsel vm15, v2, v1  }
0x107: {  	[tilespmem:s29+$0xE600] =	vst v1  }
0x108: {  	v1 =	vld.idx.msk [tilespmem:v61+s17+$0x0], $0xffff  }
0x109: {  	v2 =	vld [tilespmem:s30+$0x5000];
	_ =	sdelay $0x1  }
0x10a: {  	v62 =	vadd.s32 $0x280, v3;
	_ =	sdelay $0x1  }
0x10b: {  	v1 =	vnsel vm14, $0x0, v1  }
0x10c: {  	v1 =	vsel vm15, v2, v1  }
0x10d: {  	[tilespmem:s30+$0xE600] =	vst v1  }
0x10e: {  	v1 =	vld.idx.msk [tilespmem:v62+s17+$0x0], $0xffff  }
0x10f: {  	v2 =	vld [tilespmem:s28+$0x5000];
	_ =	sdelay $0x1  }
0x110: {  	v63 =	vadd.s32 $0x300, v3;
	_ =	sdelay $0x1  }
0x111: {  	v1 =	vnsel vm14, $0x0, v1  }
0x112: {  	v1 =	vsel vm15, v2, v1  }
0x113: {  	[tilespmem:s28+$0xE600] =	vst v1  }
0x114: {  	v1 =	vld.idx.msk [tilespmem:v63+s17+$0x0], $0xffff  }
0x115: {  	v2 =	vld [tilespmem:s26+$0x5300];
	_ =	sdelay $0x3  }
0x116: {  	v1 =	vsub.f32 $0.0e+00, v1  }
0x117: {  	v2 =	vsub.f32 $0.0e+00, v2  }
0x118: {  	v1 =	vnsel vm14, $0x0, v1  }
0x119: {  	v1 =	vsel vm15, v2, v1  }
0x11a: {  	[tilespmem:s26+$0xE900] =	vst v1  }
0x11b: {  	v1 =	vld.idx.msk [tilespmem:v3+s18+$0x0], $0xffff;
	_ =	sdelay $0x1  }
0x11c: {  	s24 =	sadd.s32 $0x1, s24  }
0x11d: {  	p0 =	sne.s32 s24, $0xA0  }
.Ltmp2:
0x11e: {  	_ = 	snop;
	(pc) =	sbr.rel @p0 .LBB2_4-.Ltmp2, $4  }
0x11f: {  	v1 =	vnsel vm14, $0xB, v1  }
0x120: {  	vm0 =	vmor vm0, vm15;
	v1 =	vsel vm15, v56, v1  }
0x121: {  	[tilespmem:s25+$0x13600] =	vst v1;
	v1 =	vsel vm0, $0x3F800000, v0  }
0x122: {  	[tilespmem:s25+$0x14000] =	vst v1  }
0x123: {  	s0 =	simm.s32 $0xE600  }
0x124: {  	[hbm4b:s8+s2] =	stream.linear.scatter [tilespmem:s0], [sflag:$0x1], $0x5000, $0x38;
	[tilespmem:$0x14A00] =	vst v63  }
0x125: {  	_ =	swait.ge [sflag:s12], $0x5000  }
0x126: {  	[sflag:s12] =	ssyncset.done $0x0  }
0x127: {  	s30 =	simm.s32 $0x13600;
	[sflag:s12] =	ssyncadd.s32 $0xFFFFB000  }
0x128: {  	[hbm4b:s9+s2] =	stream.linear.scatter [tilespmem:s30], [sflag:$0x1], $0xA00, $0x38;
	[tilespmem:$0x14A00] =	vst v63  }
0x129: {  	s22 =	sadd.s32 $0x1, s22;
	_ =	swait.ge [sflag:s12], $0xA00  }
0x12a: {  	p0 =	sne.s32 s22, s11;
	[sflag:s12] =	ssyncset.done $0x0  }
.Ltmp3:
0x12b: {  	s31 =	simm.s32 $0x14000;
	[sflag:s12] =	ssyncadd.s32 $0xFFFFF600;
	(pc) =	sbr.rel @p0 .LBB2_1-.Ltmp3, $4  }
0x12c: {  	[hbm4b:s10+s2] =	stream.linear.scatter [tilespmem:s31], [sflag:$0x1], $0xA00, $0x38;
	[tilespmem:$0x14A00] =	vst v63  }
0x12d: {  	_ =	swait.ge [sflag:s12], $0xA00  }
0x12e: {  	[sflag:s12] =	ssyncset.done $0x0  }
0x12f: {  	[sflag:s12] =	ssyncadd.s32 $0xFFFFF600  }
0x130: {  	_ =	sfence.sel $0x180000  }
0x131: {  	[bflag:$0x0] =	sbarrier.arrive $0xFFFF  }
0x132: {  	_ =	strace $0x90000047  }
0x133: {  	s0 =	stileid.u32;
	[bflag:$0x2] =	sbarrier.arrive $0xFFFF  }
0x134: {  	p0 =	sne.s32 s0, $0x0;
	s0 =	rddreg [dreg:$0x8]  }
0x135: {  	s0 =	sadd.s32 @!p0 $0x100000, s0  }
0x136: {  	[sflag:s0] =	ssyncadd.tile.s32 @!p0 $0x1;
	_ =	shalt  }
.Lfunc_end2:
_tile_overlayer_lowered:
.L_overlay_start_2:
0x137: {  	(tag) =	ssettag $0x2  }
0x138: {  	s0 =	rddreg [dreg:$0x0];
	s2 =	stileid.u32  }
0x139: {  	s1 =	rddreg [dreg:$0x1];
	p0 =	sne.s32 s2, $0x0  }
0x13a: {  	s3 =	rddreg [dreg:$0x2];
	[bflag:$0x3] =	sbarrier.arrive $0xFFFF;
	s2 =	simm.s32 @!p0 $0x1C01  }
0x13b: {  	[timem:s3], [sflag:s2] =	dma.local @!p0 [hbm:s0], s1  }
0x13c: {  	s0 =	simm.s32 @!p0 $0x1  }
0x13d: {  	_ =	swait.ge @!p0 [sflag:s0], s1  }
0x13e: {  	s1 =	ssub.s32 @!p0 $0x0, s1;
	[sflag:s0] =	ssyncset.done @!p0 $0x0  }
0x13f: {  	[sflag:s0] =	ssyncadd.s32 @!p0 s1  }
0x140: {  	[bflag:$0x3] =	sbarrier.arrive $0xFFFF  }
0x141: {  	_ =	shalt  }

</sc_bundles>
